<compile_context>
chip_gen: v7x
topology: tpu7x:2x2x1
jax: 0.10.2.dev20260603
libtpu: 0.0.44.dev20260713+nightly
codegen_flags: <defaults>
</compile_context>

<pallas_src>
import dataclasses
import functools

import jax
import jax.numpy as jnp
from jax import lax
from jax.experimental import pallas as pl
from jax.experimental.pallas import tpu as pltpu
from jax.experimental.pallas import tpu_sc as plsc

NC = 2
NS = 16
NW = NC * NS
LANES = 16
CH = 128

_HIGH = lax.Precision.HIGHEST


def _sc_compiler_params():
    cp = pltpu.CompilerParams()
    fields = pltpu.CompilerParams.__dataclass_fields__
    if "needs_layout_passes" in fields:
        cp = dataclasses.replace(cp, needs_layout_passes=False)
    if "use_tc_tiling_on_sc" in fields:
        cp = dataclasses.replace(cp, use_tc_tiling_on_sc=False)
    return cp


def _round_up(v, m):
    return (v + m - 1) // m * m


class _Val:

    def __init__(self, v):
        self._v = v

    def __getitem__(self, idx):
        return self._v



def _prep_body(h_att, x_ref, w_ref, amat_ref, xl_ref, ab_ref, bb_ref):
    xl = jnp.dot(x_ref[...], w_ref[...], preferred_element_type=jnp.float32,
                 precision=_HIGH)
    xl_ref[...] = xl
    ab = jnp.dot(xl, amat_ref[...], preferred_element_type=jnp.float32,
                 precision=_HIGH)
    ab_ref[...] = ab
    asrc = ab[:, 0:h_att]
    adst = ab[:, h_att:2 * h_att]
    m = jnp.max(asrc, axis=0, keepdims=True)
    off = adst + m
    off = jnp.maximum(off, 0.2 * off)
    parts = [adst, off]
    if 2 * h_att < 16:
        parts.append(jnp.zeros((ab.shape[0], 16 - 2 * h_att), jnp.float32))
    bb_ref[...] = jnp.concatenate(parts, axis=1)


def _tc_prep(x_pad, w, amat, h_att):
    np_, _ = x_pad.shape
    f = w.shape[1]
    return pl.pallas_call(
        functools.partial(_prep_body, h_att),
        out_shape=[
            jax.ShapeDtypeStruct((np_, f), jnp.float32),
            jax.ShapeDtypeStruct((np_, 16), jnp.float32),
            jax.ShapeDtypeStruct((np_, 16), jnp.float32),
        ],
    )(x_pad, w, amat)


def _mid_body(h_att, op_ref, b_ref, w_ref, amat_ref, xl_ref, ab_ref, bb_ref):
    h = op_ref[0] + op_ref[1] + b_ref[...]
    h = jnp.where(h > 0, h, jnp.exp(jnp.minimum(h, 0.0)) - 1.0)
    _prep_body(h_att, _Val(h), w_ref, amat_ref, xl_ref, ab_ref, bb_ref)


def _tc_mid(oparts, b, w, amat, h_att):
    np_ = oparts.shape[1]
    f = w.shape[1]
    return pl.pallas_call(
        functools.partial(_mid_body, h_att),
        out_shape=[
            jax.ShapeDtypeStruct((np_, f), jnp.float32),
            jax.ShapeDtypeStruct((np_, 16), jnp.float32),
            jax.ShapeDtypeStruct((np_, 16), jnp.float32),
        ],
    )(oparts, b, w, amat)


def _dcomb_body(dp_ref, out_ref):
    out_ref[...] = dp_ref[0] + dp_ref[1] + 1e-16


def _tc_dcomb(dparts):
    np_ = dparts.shape[1]
    return pl.pallas_call(
        _dcomb_body,
        out_shape=jax.ShapeDtypeStruct((np_, 16), jnp.float32),
    )(dparts)


def _final_body(n, op_ref, b_ref, out_ref):
    h = op_ref[0, 0:n, :] + op_ref[1, 0:n, :] + b_ref[...]
    nrm = jnp.sqrt(jnp.sum(h * h, axis=1, keepdims=True))
    out_ref[...] = h / jnp.maximum(nrm, 0.0005)


def _tc_final(oparts, b, n):
    f = oparts.shape[2]
    return pl.pallas_call(
        functools.partial(_final_body, n),
        out_shape=jax.ShapeDtypeStruct((n, f), jnp.float32),
    )(oparts, b)



def _sc_pass1(ab, bb, src, dst, h_att, ep, np_):
    tpe = ep // NW
    nchunk = tpe // CH
    zr = np_ // NS
    mesh = plsc.VectorSubcoreMesh(core_axis_name="c", subcore_axis_name="s")

    @functools.partial(
        pl.kernel,
        mesh=mesh,
        out_type=[
            jax.ShapeDtypeStruct((ep, 16), jnp.float32),
            jax.ShapeDtypeStruct((NC, np_, 16), jnp.float32),
        ],
        scratch_types=[
            pltpu.VMEM((CH,), jnp.int32),
            pltpu.VMEM((CH,), jnp.int32),
            pltpu.VMEM((CH, 16), jnp.float32),
            pltpu.VMEM((CH, 16), jnp.float32),
            pltpu.VMEM((CH, 16), jnp.float32),
            pltpu.VMEM((np_ // NS, 16), jnp.float32),
            pltpu.VMEM_SHARED((np_, 16), jnp.float32),
            pltpu.SemaphoreType.DMA,
            pltpu.SemaphoreType.DMA,
        ],
        compiler_params=_sc_compiler_params(),
    )
    def k(ab_hbm, bb_hbm, src_hbm, dst_hbm, ex_hbm, dp_hbm,
          sbuf, dbuf, gsrc, gdst, exb, zbuf, dsh, sem1, sem2):
        c = lax.axis_index("c")
        s = lax.axis_index("s")
        wid = c * NS + s
        iota = lax.iota(jnp.int32, LANES)
        lomask = (iota < h_att).astype(jnp.float32)

        @pl.loop(0, zr)
        def _(i):
            zbuf[i, :] = jnp.zeros((LANES,), jnp.float32)

        pltpu.sync_copy(zbuf, dsh.at[pl.ds(s * zr, zr)])
        plsc.subcore_barrier()

        base = wid * tpe

        @pl.loop(0, nchunk)
        def _(ch):
            off = base + ch * CH
            pltpu.sync_copy(src_hbm.at[pl.ds(off, CH)], sbuf)
            pltpu.sync_copy(dst_hbm.at[pl.ds(off, CH)], dbuf)
            cp1 = pltpu.async_copy(ab_hbm.at[sbuf], gsrc, sem1)
            cp2 = pltpu.async_copy(bb_hbm.at[dbuf], gdst, sem2)
            cp1.wait()
            cp2.wait()

            @pl.loop(0, CH)
            def _(e):
                gs = gsrc[e, :]
                gb = gdst[e, :]
                al = gs + gb
                al = jnp.maximum(al, 0.2 * al)
                erow = jnp.full((LANES,), e, jnp.int32)
                rot = plsc.load_gather(gdst, [erow, (iota + h_att) & 15])
                ex = jnp.exp(al - rot) * lomask
                exb[e, :] = ex

            pltpu.sync_copy(exb, ex_hbm.at[pl.ds(off, CH)])
            pltpu.sync_copy(exb, dsh.at[dbuf], add=True)

        plsc.subcore_barrier()
        pltpu.sync_copy(dsh.at[pl.ds(s * zr, zr)], zbuf)
        pltpu.sync_copy(zbuf, dp_hbm.at[c].at[pl.ds(s * zr, zr)])

    return k(ab, bb, src, dst)


def _sc_pass2(xl, denom, ex, src, dst, f, ep, np_):
    tpe = ep // NW
    nchunk = tpe // CH
    zr = np_ // NS
    vf = f // LANES
    mesh = plsc.VectorSubcoreMesh(core_axis_name="c", subcore_axis_name="s")

    @functools.partial(
        pl.kernel,
        mesh=mesh,
        out_type=jax.ShapeDtypeStruct((NC, np_, f), jnp.float32),
        scratch_types=[
            pltpu.VMEM((CH,), jnp.int32),
            pltpu.VMEM((CH,), jnp.int32),
            pltpu.VMEM((CH, f), jnp.float32),
            pltpu.VMEM((CH, 16), jnp.float32),
            pltpu.VMEM((CH, 16), jnp.float32),
            pltpu.VMEM((CH, f), jnp.float32),
            pltpu.VMEM((LANES,), jnp.float32),
            pltpu.VMEM((np_ // NS, f), jnp.float32),
            pltpu.VMEM_SHARED((np_, f), jnp.float32),
            pltpu.SemaphoreType.DMA,
            pltpu.SemaphoreType.DMA,
        ],
        compiler_params=_sc_compiler_params(),
    )
    def k(xl_hbm, dn_hbm, ex_hbm, src_hbm, dst_hbm, op_hbm,
          sbuf, dbuf, gxl, gdn, exb, msg, attn_ref, zbuf, osh, sem1, sem2):
        c = lax.axis_index("c")
        s = lax.axis_index("s")
        wid = c * NS + s
        iota = lax.iota(jnp.int32, LANES)

        @pl.loop(0, zr)
        def _(i):
            for v in range(vf):
                zbuf[i, pl.ds(16 * v, 16)] = jnp.zeros((LANES,), jnp.float32)

        pltpu.sync_copy(zbuf, osh.at[pl.ds(s * zr, zr)])
        plsc.subcore_barrier()

        base = wid * tpe

        @pl.loop(0, nchunk)
        def _(ch):
            off = base + ch * CH
            pltpu.sync_copy(src_hbm.at[pl.ds(off, CH)], sbuf)
            pltpu.sync_copy(dst_hbm.at[pl.ds(off, CH)], dbuf)
            cp1 = pltpu.async_copy(xl_hbm.at[sbuf], gxl, sem1)
            cp2 = pltpu.async_copy(dn_hbm.at[dbuf], gdn, sem2)
            pltpu.sync_copy(ex_hbm.at[pl.ds(off, CH)], exb)
            cp1.wait()
            cp2.wait()

            @pl.loop(0, CH)
            def _(e):
                attn_ref[...] = exb[e, :] / gdn[e, :]
                for v in range(vf):
                    patt = jax.lax.shift_right_logical(iota, 3) + (2 * v)
                    av = plsc.load_gather(attn_ref, [patt])
                    msg[e, pl.ds(16 * v, 16)] = gxl[e, pl.ds(16 * v, 16)] * av

            pltpu.sync_copy(msg, osh.at[dbuf], add=True)

        plsc.subcore_barrier()
        pltpu.sync_copy(osh.at[pl.ds(s * zr, zr)], zbuf)
        pltpu.sync_copy(zbuf, op_hbm.at[c].at[pl.ds(s * zr, zr)])

    return k(xl, denom, ex, src, dst)



def _att_mat(att_src, att_dst, h_att, cdim):
    f = h_att * cdim
    fi = jnp.arange(f)[:, None] // cdim
    hi = jnp.arange(h_att)[None, :]
    mask = (fi == hi).astype(jnp.float32)
    a_s = mask * att_src.reshape(f, 1)
    a_d = mask * att_dst.reshape(f, 1)
    parts = [a_s, a_d]
    if 2 * h_att < 16:
        parts.append(jnp.zeros((f, 16 - 2 * h_att), jnp.float32))
    return jnp.concatenate(parts, axis=1)


def kernel(x, edge_index, W1, att_src1, att_dst1, b1,
           W2, att_src2, att_dst2, b2):
    n, _ = x.shape
    e = edge_index.shape[1]
    h1, c1 = att_src1.shape[1], att_src1.shape[2]
    h2, c2 = att_src2.shape[1], att_src2.shape[2]
    f1, f2 = h1 * c1, h2 * c2

    np_ = _round_up(n + 1, NS * 8)
    ep = _round_up(e + n, NW * CH)

    loop = jnp.arange(n, dtype=edge_index.dtype)
    src = jnp.concatenate([edge_index[0], loop])
    dst = jnp.concatenate([edge_index[1], loop])
    pad_e = ep - (e + n)
    src = jnp.concatenate([src, jnp.zeros((pad_e,), src.dtype)])
    dst = jnp.concatenate([dst, jnp.full((pad_e,), n, dst.dtype)])

    x_pad = jnp.pad(x, ((0, np_ - n), (0, 0)))
    amat1 = _att_mat(att_src1, att_dst1, h1, c1)
    amat2 = _att_mat(att_src2, att_dst2, h2, c2)

    xl1, ab1, bb1 = _tc_prep(x_pad, W1, amat1, h1)
    ex1, dparts1 = _sc_pass1(ab1, bb1, src, dst, h1, ep, np_)
    den1 = _tc_dcomb(dparts1)
    oparts1 = _sc_pass2(xl1, den1, ex1, src, dst, f1, ep, np_)

    xl2, ab2, bb2 = _tc_mid(oparts1, b1.reshape(1, f1), W2, amat2, h2)
    ex2, dparts2 = _sc_pass1(ab2, bb2, src, dst, h2, ep, np_)
    den2 = _tc_dcomb(dparts2)
    oparts2 = _sc_pass2(xl2, den2, ex2, src, dst, f2, ep, np_)

    return _tc_final(oparts2, b2.reshape(1, f2), n)

# --- scband reference (transcript-rebuilt; emitter-appended) ---
"""Pipeline reference for scband-encoder-gat-70136815943926 (READ-ONLY COPY).

The authoritative reference and input builder live on the scoring server;
editing this copy changes nothing except your own understanding.
"""

import jax, jax.numpy as jnp
import numpy as np

N = 10000
E = 320000
IN_CH = 128
H1, C1 = 8, 8
H2, C2 = 4, 8


def setup_inputs(seed: int = 0) -> dict:
    key = jax.random.key(seed)
    ks = jax.random.split(key, 12)
    x = jax.random.normal(ks[0], (N, IN_CH), dtype=jnp.float32)
    edge_index = jax.random.randint(ks[1], (2, E), 0, N, dtype=jnp.int32)
    W1 = jax.random.normal(ks[2], (IN_CH, H1 * C1), dtype=jnp.float32) / jnp.sqrt(IN_CH)
    att_src1 = jax.random.normal(ks[3], (1, H1, C1), dtype=jnp.float32) * 0.1
    att_dst1 = jax.random.normal(ks[4], (1, H1, C1), dtype=jnp.float32) * 0.1
    b1 = jnp.zeros((H1 * C1,), dtype=jnp.float32)
    W2 = jax.random.normal(ks[5], (H1 * C1, H2 * C2), dtype=jnp.float32) / jnp.sqrt(H1 * C1)
    att_src2 = jax.random.normal(ks[6], (1, H2, C2), dtype=jnp.float32) * 0.1
    att_dst2 = jax.random.normal(ks[7], (1, H2, C2), dtype=jnp.float32) * 0.1
    b2 = jnp.zeros((H2 * C2,), dtype=jnp.float32)
    return {"x": x, "edge_index": edge_index, "W1": W1, "att_src1": att_src1,
            "att_dst1": att_dst1, "b1": b1, "W2": W2, "att_src2": att_src2,
            "att_dst2": att_dst2, "b2": b2}


def _gat_conv(x, edge_index, W, att_src, att_dst, bias, heads, out_ch):
    n = x.shape[0]
    loop = jnp.arange(n, dtype=edge_index.dtype)
    src = jnp.concatenate([edge_index[0], loop])
    dst = jnp.concatenate([edge_index[1], loop])
    xl = (x @ W).reshape(n, heads, out_ch)
    a_src = (xl * att_src).sum(-1)  # [n, H]
    a_dst = (xl * att_dst).sum(-1)  # [n, H]
    alpha = a_src[src] + a_dst[dst]  # [E', H]
    alpha = jax.nn.leaky_relu(alpha, negative_slope=0.2)
    amax = jax.ops.segment_max(alpha, dst, num_segments=n)
    amax = jax.lax.stop_gradient(jnp.where(jnp.isfinite(amax), amax, 0.0))
    ex = jnp.exp(alpha - amax[dst])
    denom = jax.ops.segment_sum(ex, dst, num_segments=n)
    attn = ex / (denom[dst] + 1e-16)  # softmax over incoming edges per dst
    msg = xl[src] * attn[:, :, None]
    out = jax.ops.segment_sum(msg, dst, num_segments=n)
    return out.reshape(n, heads * out_ch) + bias


def reference(x, edge_index, W1, att_src1, att_dst1, b1, W2, att_src2, att_dst2, b2):
    # eval mode: both F.dropout calls and GAT attention dropout are no-ops
    h = _gat_conv(x, edge_index, W1, att_src1, att_dst1, b1, H1, C1)
    h = jax.nn.elu(h)
    h = _gat_conv(h, edge_index, W2, att_src2, att_dst2, b2, H2, C2)
    norm = jnp.linalg.norm(h, ord=2, axis=1, keepdims=True)
    h = h / jnp.maximum(norm, 0.0005)  # F.normalize(x, eps=0.0005)
    return h

if __name__ == "__main__":
    import jax
    _d = setup_inputs()
    print(jax.jit(kernel)(*tuple(_d.values())))

</pallas_src>

<mosaic_0001>
#map = affine_map<(d0, d1) -> (0, 0)>
#map1 = affine_map<(d0, d1) -> (0)>
#map2 = affine_map<(d0, d1) -> (0, 0, 0)>
module attributes {stable_mosaic.version = 14 : i64} {
  func.func @k(%arg0: i32, %arg1: i32, %arg2: memref<10112x64xf32, #tpu.memory_space<hbm>>, %arg3: memref<10112x16xf32, #tpu.memory_space<hbm>>, %arg4: memref<331776x16xf32, #tpu.memory_space<hbm>>, %arg5: memref<331776xi32, #tpu.memory_space<hbm>>, %arg6: memref<331776xi32, #tpu.memory_space<hbm>>, %arg7: memref<2x10112x64xf32, #tpu.memory_space<hbm>>, %arg8: memref<128xi32, #tpu.memory_space<vmem>>, %arg9: memref<128xi32, #tpu.memory_space<vmem>>, %arg10: memref<128x64xf32, #tpu.memory_space<vmem>>, %arg11: memref<128x16xf32, #tpu.memory_space<vmem>>, %arg12: memref<128x16xf32, #tpu.memory_space<vmem>>, %arg13: memref<128x64xf32, #tpu.memory_space<vmem>>, %arg14: memref<16xf32, #tpu.memory_space<vmem>>, %arg15: memref<632x64xf32, #tpu.memory_space<vmem>>, %arg16: memref<10112x64xf32, #tpu.memory_space<vmem_shared>>, %arg17: memref<!tpu.dma_semaphore, #tpu.memory_space<semaphore_mem>>, %arg18: memref<!tpu.dma_semaphore, #tpu.memory_space<semaphore_mem>>) attributes {dimension_semantics = [#tpu.dimension_semantics<core_parallel>, #tpu.dimension_semantics<subcore_parallel>], iteration_bounds = array<i64: 2, 16>, scalar_prefetch = 0 : i64, scratch_operands = 11 : i64, tpu.core_type = #tpu.core_type<sc_vector_subcore>, window_params = [{transform_indices = #map}, {transform_indices = #map}, {transform_indices = #map}, {transform_indices = #map1}, {transform_indices = #map1}, {transform_indices = #map2}]} {
    %mul3A = arith.constant 16 : i32
    %mul3A_0 = arith.muli %arg0, %mul3A : i32
    %add3A = arith.addi %mul3A_0, %arg1 : i32
    %iota3A = tpu.iota {dimensions = array<i32: 0>} : vector<16xi32>
    %scan3A = arith.constant 0 : i32
    %scan3A_1 = arith.constant 632 : i32
    %scan3A_2 = arith.addi %scan3A, %scan3A_1 : i32
    %scan3A_3 = arith.constant 1 : i32
    scf.for %scan3A_19 = %scan3A to %scan3A_2 step %scan3A_3  : i32 {
      %mul3A_20 = arith.constant 1 : i32
      %mul3A_21 = arith.muli %scan3A_19, %mul3A_20 : i32
      %add3A_22 = arith.constant 0 : i32
      %add3A_23 = arith.addi %add3A_22, %mul3A_21 : i32
      %broadcast_in_dim3A = arith.constant 0.000000e+00 : f32
      %broadcast_in_dim3A_24 = vector.broadcast %broadcast_in_dim3A : f32 to vector<16xf32>
      %swap3A = arith.index_cast %add3A_23 : i32 to index
      %swap3A_25 = arith.constant 0 : index
      %swap3A_26 = tpu.vector_load %arg15[%swap3A, %swap3A_25] {strides = array<i32>} : memref<632x64xf32, #tpu.memory_space<vmem>>, vector<16xf32>,
      tpu.vector_store %arg15[%swap3A, %swap3A_25], %broadcast_in_dim3A_24 {strides = array<i32>} : memref<632x64xf32, #tpu.memory_space<vmem>>, vector<16xf32>,
      %broadcast_in_dim3A_27 = arith.constant 0.000000e+00 : f32
      %broadcast_in_dim3A_28 = vector.broadcast %broadcast_in_dim3A_27 : f32 to vector<16xf32>
      %swap3A_29 = arith.index_cast %add3A_23 : i32 to index
      %swap3A_30 = arith.constant 16 : index
      %swap3A_31 = tpu.vector_load %arg15[%swap3A_29, %swap3A_30] {strides = array<i32>} : memref<632x64xf32, #tpu.memory_space<vmem>>, vector<16xf32>,
      tpu.vector_store %arg15[%swap3A_29, %swap3A_30], %broadcast_in_dim3A_28 {strides = array<i32>} : memref<632x64xf32, #tpu.memory_space<vmem>>, vector<16xf32>,
      %broadcast_in_dim3A_32 = arith.constant 0.000000e+00 : f32
      %broadcast_in_dim3A_33 = vector.broadcast %broadcast_in_dim3A_32 : f32 to vector<16xf32>
      %swap3A_34 = arith.index_cast %add3A_23 : i32 to index
      %swap3A_35 = arith.constant 32 : index
      %swap3A_36 = tpu.vector_load %arg15[%swap3A_34, %swap3A_35] {strides = array<i32>} : memref<632x64xf32, #tpu.memory_space<vmem>>, vector<16xf32>,
      tpu.vector_store %arg15[%swap3A_34, %swap3A_35], %broadcast_in_dim3A_33 {strides = array<i32>} : memref<632x64xf32, #tpu.memory_space<vmem>>, vector<16xf32>,
      %broadcast_in_dim3A_37 = arith.constant 0.000000e+00 : f32
      %broadcast_in_dim3A_38 = vector.broadcast %broadcast_in_dim3A_37 : f32 to vector<16xf32>
      %swap3A_39 = arith.index_cast %add3A_23 : i32 to index
      %swap3A_40 = arith.constant 48 : index
      %swap3A_41 = tpu.vector_load %arg15[%swap3A_39, %swap3A_40] {strides = array<i32>} : memref<632x64xf32, #tpu.memory_space<vmem>>, vector<16xf32>,
      tpu.vector_store %arg15[%swap3A_39, %swap3A_40], %broadcast_in_dim3A_38 {strides = array<i32>} : memref<632x64xf32, #tpu.memory_space<vmem>>, vector<16xf32>,
    }
    %scan3A_4 = arith.constant 632 : i32
    %mul3A_5 = arith.constant 632 : i32
    %mul3A_6 = arith.muli %arg1, %mul3A_5 : i32
    "tpu.region"() ({
      %run_scoped3A = tpu.sem_alloc : memref<!tpu.dma_semaphore, #tpu.memory_space<semaphore_mem>>
      %dma_start3A = arith.constant 0 : i32
      %dma_start3A_19 = tpu.memref_slice %arg16[%mul3A_6, %dma_start3A] : memref<10112x64xf32, #tpu.memory_space<vmem_shared>> -> memref<632x64xf32, #tpu.memory_space<vmem_shared>>
      %dma_start3A_20 = arith.constant 0 : i32
      %dma_start3A_21 = tpu.memref_slice %arg16[%mul3A_6, %dma_start3A_20] : memref<10112x64xf32, #tpu.memory_space<vmem_shared>> -> memref<632x64xf32, #tpu.memory_space<vmem_shared>>
      tpu.enqueue_dma source(%arg15 : memref<632x64xf32, #tpu.memory_space<vmem>>) target(%dma_start3A_21 : memref<632x64xf32, #tpu.memory_space<vmem_shared>>) target_semaphore(%run_scoped3A : memref<!tpu.dma_semaphore, #tpu.memory_space<semaphore_mem>>)
      %dma_wait3A = arith.constant 0 : i32
      %dma_wait3A_22 = tpu.memref_slice %arg16[%mul3A_6, %dma_wait3A] : memref<10112x64xf32, #tpu.memory_space<vmem_shared>> -> memref<632x64xf32, #tpu.memory_space<vmem_shared>>
      %dma_wait3A_23 = arith.constant 0 : i32
      %dma_wait3A_24 = tpu.memref_slice %arg16[%mul3A_6, %dma_wait3A_23] : memref<10112x64xf32, #tpu.memory_space<vmem_shared>> -> memref<632x64xf32, #tpu.memory_space<vmem_shared>>
      tpu.wait_dma2 semaphore(%run_scoped3A : memref<!tpu.dma_semaphore, #tpu.memory_space<semaphore_mem>>) src(%arg15 : memref<632x64xf32, #tpu.memory_space<vmem>>) dst(%dma_wait3A_24 : memref<632x64xf32, #tpu.memory_space<vmem_shared>>)
      tpu.yield
    }) : () -> ()
    %barrier3A = arith.constant 0 : index
    tpu.barrier barrier_id(%barrier3A)
    %mul3A_7 = arith.constant 10368 : i32
    %mul3A_8 = arith.muli %add3A, %mul3A_7 : i32
    %scan3A_9 = arith.constant 0 : i32
    %scan3A_10 = arith.constant 81 : i32
    %scan3A_11 = arith.addi %scan3A_9, %scan3A_10 : i32
    %scan3A_12 = arith.constant 1 : i32
    scf.for %scan3A_19 = %scan3A_9 to %scan3A_11 step %scan3A_12  : i32 {
      %mul3A_20 = arith.constant 1 : i32
      %mul3A_21 = arith.muli %scan3A_19, %mul3A_20 : i32
      %add3A_22 = arith.constant 0 : i32
      %add3A_23 = arith.addi %add3A_22, %mul3A_21 : i32
      %mul3A_24 = arith.constant 128 : i32
      %mul3A_25 = arith.muli %add3A_23, %mul3A_24 : i32
      %add3A_26 = arith.addi %mul3A_8, %mul3A_25 : i32
      "tpu.region"() ({
        %run_scoped3A = tpu.sem_alloc : memref<!tpu.dma_semaphore, #tpu.memory_space<semaphore_mem>>
        %dma_start3A_42 = tpu.memref_slice %arg5[%add3A_26] : memref<331776xi32, #tpu.memory_space<hbm>> -> memref<128xi32, #tpu.memory_space<hbm>>
        %dma_start3A_43 = tpu.memref_slice %arg5[%add3A_26] : memref<331776xi32, #tpu.memory_space<hbm>> -> memref<128xi32, #tpu.memory_space<hbm>>
        tpu.enqueue_dma source(%dma_start3A_43 : memref<128xi32, #tpu.memory_space<hbm>>) target(%arg8 : memref<128xi32, #tpu.memory_space<vmem>>) target_semaphore(%run_scoped3A : memref<!tpu.dma_semaphore, #tpu.memory_space<semaphore_mem>>)
        %dma_wait3A_44 = tpu.memref_slice %arg5[%add3A_26] : memref<331776xi32, #tpu.memory_space<hbm>> -> memref<128xi32, #tpu.memory_space<hbm>>
        %dma_wait3A_45 = tpu.memref_slice %arg5[%add3A_26] : memref<331776xi32, #tpu.memory_space<hbm>> -> memref<128xi32, #tpu.memory_space<hbm>>
        tpu.wait_dma2 semaphore(%run_scoped3A : memref<!tpu.dma_semaphore, #tpu.memory_space<semaphore_mem>>) src(%dma_wait3A_45 : memref<128xi32, #tpu.memory_space<hbm>>) dst(%arg8 : memref<128xi32, #tpu.memory_space<vmem>>)
        tpu.yield
      }) : () -> ()
      "tpu.region"() ({
        %run_scoped3A = tpu.sem_alloc : memref<!tpu.dma_semaphore, #tpu.memory_space<semaphore_mem>>
        %dma_start3A_42 = tpu.memref_slice %arg6[%add3A_26] : memref<331776xi32, #tpu.memory_space<hbm>> -> memref<128xi32, #tpu.memory_space<hbm>>
        %dma_start3A_43 = tpu.memref_slice %arg6[%add3A_26] : memref<331776xi32, #tpu.memory_space<hbm>> -> memref<128xi32, #tpu.memory_space<hbm>>
        tpu.enqueue_dma source(%dma_start3A_43 : memref<128xi32, #tpu.memory_space<hbm>>) target(%arg9 : memref<128xi32, #tpu.memory_space<vmem>>) target_semaphore(%run_scoped3A : memref<!tpu.dma_semaphore, #tpu.memory_space<semaphore_mem>>)
        %dma_wait3A_44 = tpu.memref_slice %arg6[%add3A_26] : memref<331776xi32, #tpu.memory_space<hbm>> -> memref<128xi32, #tpu.memory_space<hbm>>
        %dma_wait3A_45 = tpu.memref_slice %arg6[%add3A_26] : memref<331776xi32, #tpu.memory_space<hbm>> -> memref<128xi32, #tpu.memory_space<hbm>>
        tpu.wait_dma2 semaphore(%run_scoped3A : memref<!tpu.dma_semaphore, #tpu.memory_space<semaphore_mem>>) src(%dma_wait3A_45 : memref<128xi32, #tpu.memory_space<hbm>>) dst(%arg9 : memref<128xi32, #tpu.memory_space<vmem>>)
        tpu.yield
      }) : () -> ()
      %dma_start3A = arith.constant 0 : i32
      %dma_start3A_27 = arith.constant 0 : i32
      %dma_start3A_28 = tpu.memref_slice %arg2[%dma_start3A, %dma_start3A_27] : memref<10112x64xf32, #tpu.memory_space<hbm>> -> memref<10112x64xf32, #tpu.memory_space<hbm>>
      tpu.enqueue_indirect_dma source(%dma_start3A_28 : memref<10112x64xf32, #tpu.memory_space<hbm>>) target(%arg10 : memref<128x64xf32, #tpu.memory_space<vmem>>) offsets(%arg8 : memref<128xi32, #tpu.memory_space<vmem>>) semaphore(%arg17 : memref<!tpu.dma_semaphore, #tpu.memory_space<semaphore_mem>>)
      %dma_start3A_29 = arith.constant 0 : i32
      %dma_start3A_30 = arith.constant 0 : i32
      %dma_start3A_31 = tpu.memref_slice %arg3[%dma_start3A_29, %dma_start3A_30] : memref<10112x16xf32, #tpu.memory_space<hbm>> -> memref<10112x16xf32, #tpu.memory_space<hbm>>
      tpu.enqueue_indirect_dma source(%dma_start3A_31 : memref<10112x16xf32, #tpu.memory_space<hbm>>) target(%arg11 : memref<128x16xf32, #tpu.memory_space<vmem>>) offsets(%arg9 : memref<128xi32, #tpu.memory_space<vmem>>) semaphore(%arg18 : memref<!tpu.dma_semaphore, #tpu.memory_space<semaphore_mem>>)
      "tpu.region"() ({
        %run_scoped3A = tpu.sem_alloc : memref<!tpu.dma_semaphore, #tpu.memory_space<semaphore_mem>>
        %dma_start3A_42 = arith.constant 0 : i32
        %dma_start3A_43 = tpu.memref_slice %arg4[%add3A_26, %dma_start3A_42] : memref<331776x16xf32, #tpu.memory_space<hbm>> -> memref<128x16xf32, #tpu.memory_space<hbm>>
        %dma_start3A_44 = arith.constant 0 : i32
        %dma_start3A_45 = tpu.memref_slice %arg4[%add3A_26, %dma_start3A_44] : memref<331776x16xf32, #tpu.memory_space<hbm>> -> memref<128x16xf32, #tpu.memory_space<hbm>>
        tpu.enqueue_dma source(%dma_start3A_45 : memref<128x16xf32, #tpu.memory_space<hbm>>) target(%arg12 : memref<128x16xf32, #tpu.memory_space<vmem>>) target_semaphore(%run_scoped3A : memref<!tpu.dma_semaphore, #tpu.memory_space<semaphore_mem>>)
        %dma_wait3A_46 = arith.constant 0 : i32
        %dma_wait3A_47 = tpu.memref_slice %arg4[%add3A_26, %dma_wait3A_46] : memref<331776x16xf32, #tpu.memory_space<hbm>> -> memref<128x16xf32, #tpu.memory_space<hbm>>
        %dma_wait3A_48 = arith.constant 0 : i32
        %dma_wait3A_49 = tpu.memref_slice %arg4[%add3A_26, %dma_wait3A_48] : memref<331776x16xf32, #tpu.memory_space<hbm>> -> memref<128x16xf32, #tpu.memory_space<hbm>>
        tpu.wait_dma2 semaphore(%run_scoped3A : memref<!tpu.dma_semaphore, #tpu.memory_space<semaphore_mem>>) src(%dma_wait3A_49 : memref<128x16xf32, #tpu.memory_space<hbm>>) dst(%arg12 : memref<128x16xf32, #tpu.memory_space<vmem>>)
        tpu.yield
      }) : () -> ()
      %dma_wait3A = arith.constant 0 : i32
      %dma_wait3A_32 = arith.constant 0 : i32
      %dma_wait3A_33 = tpu.memref_slice %arg2[%dma_wait3A, %dma_wait3A_32] : memref<10112x64xf32, #tpu.memory_space<hbm>> -> memref<10112x64xf32, #tpu.memory_space<hbm>>
      tpu.wait_indirect_dma semaphore(%arg17 : memref<!tpu.dma_semaphore, #tpu.memory_space<semaphore_mem>>) src(%dma_wait3A_33 : memref<10112x64xf32, #tpu.memory_space<hbm>>) dst(%arg10 : memref<128x64xf32, #tpu.memory_space<vmem>>)
      %dma_wait3A_34 = arith.constant 0 : i32
      %dma_wait3A_35 = arith.constant 0 : i32
      %dma_wait3A_36 = tpu.memref_slice %arg3[%dma_wait3A_34, %dma_wait3A_35] : memref<10112x16xf32, #tpu.memory_space<hbm>> -> memref<10112x16xf32, #tpu.memory_space<hbm>>
      tpu.wait_indirect_dma semaphore(%arg18 : memref<!tpu.dma_semaphore, #tpu.memory_space<semaphore_mem>>) src(%dma_wait3A_36 : memref<10112x16xf32, #tpu.memory_space<hbm>>) dst(%arg11 : memref<128x16xf32, #tpu.memory_space<vmem>>)
      %scan3A_37 = arith.constant 0 : i32
      %scan3A_38 = arith.constant 128 : i32
      %scan3A_39 = arith.addi %scan3A_37, %scan3A_38 : i32
      %scan3A_40 = arith.constant 1 : i32
      scf.for %scan3A_42 = %scan3A_37 to %scan3A_39 step %scan3A_40  : i32 {
        %mul3A_43 = arith.constant 1 : i32
        %mul3A_44 = arith.muli %scan3A_42, %mul3A_43 : i32
        %add3A_45 = arith.constant 0 : i32
        %add3A_46 = arith.addi %add3A_45, %mul3A_44 : i32
        %get3A = arith.index_cast %add3A_46 : i32 to index
        %get3A_47 = arith.constant 0 : index
        %get3A_48 = tpu.vector_load %arg12[%get3A, %get3A_47] {strides = array<i32>} : memref<128x16xf32, #tpu.memory_space<vmem>>, vector<16xf32>,
        %get3A_49 = arith.index_cast %add3A_46 : i32 to index
        %get3A_50 = arith.constant 0 : index
        %get3A_51 = tpu.vector_load %arg11[%get3A_49, %get3A_50] {strides = array<i32>} : memref<128x16xf32, #tpu.memory_space<vmem>>, vector<16xf32>,
        %div3A = arith.divf %get3A_48, %get3A_51 : vector<16xf32>
        %swap3A = arith.constant 0 : index
        %swap3A_52 = tpu.vector_load %arg14[%swap3A] {strides = array<i32>} : memref<16xf32, #tpu.memory_space<vmem>>, vector<16xf32>,
        tpu.vector_store %arg14[%swap3A], %div3A {strides = array<i32>} : memref<16xf32, #tpu.memory_space<vmem>>, vector<16xf32>,
        %shift_right_logical3A = arith.constant 3 : i32
        %shift_right_logical3A_53 = vector.broadcast %shift_right_logical3A : i32 to vector<16xi32>
        %shift_right_logical3A_54 = arith.shrui %iota3A, %shift_right_logical3A_53 : vector<16xi32>
        %add3A_55 = arith.constant 0 : i32
        %add3A_56 = vector.broadcast %add3A_55 : i32 to vector<16xi32>
        %add3A_57 = arith.addi %shift_right_logical3A_54, %add3A_56 : vector<16xi32>
        %gather3A = tpu.vector_load_idx %arg14[%add3A_57] : memref<16xf32, #tpu.memory_space<vmem>>[vector<16xi32>], vector<16xf32>,
        %get3A_58 = arith.index_cast %add3A_46 : i32 to index
        %get3A_59 = arith.constant 0 : index
        %get3A_60 = tpu.vector_load %arg10[%get3A_58, %get3A_59] {strides = array<i32>} : memref<128x64xf32, #tpu.memory_space<vmem>>, vector<16xf32>,
        %mul3A_61 = arith.mulf %get3A_60, %gather3A : vector<16xf32>
        %swap3A_62 = arith.index_cast %add3A_46 : i32 to index
        %swap3A_63 = arith.constant 0 : index
        %swap3A_64 = tpu.vector_load %arg13[%swap3A_62, %swap3A_63] {strides = array<i32>} : memref<128x64xf32, #tpu.memory_space<vmem>>, vector<16xf32>,
        tpu.vector_store %arg13[%swap3A_62, %swap3A_63], %mul3A_61 {strides = array<i32>} : memref<128x64xf32, #tpu.memory_space<vmem>>, vector<16xf32>,
        %shift_right_logical3A_65 = arith.constant 3 : i32
        %shift_right_logical3A_66 = vector.broadcast %shift_right_logical3A_65 : i32 to vector<16xi32>
        %shift_right_logical3A_67 = arith.shrui %iota3A, %shift_right_logical3A_66 : vector<16xi32>
        %add3A_68 = arith.constant 2 : i32
        %add3A_69 = vector.broadcast %add3A_68 : i32 to vector<16xi32>
        %add3A_70 = arith.addi %shift_right_logical3A_67, %add3A_69 : vector<16xi32>
        %gather3A_71 = tpu.vector_load_idx %arg14[%add3A_70] : memref<16xf32, #tpu.memory_space<vmem>>[vector<16xi32>], vector<16xf32>,
        %get3A_72 = arith.index_cast %add3A_46 : i32 to index
        %get3A_73 = arith.constant 16 : index
        %get3A_74 = tpu.vector_load %arg10[%get3A_72, %get3A_73] {strides = array<i32>} : memref<128x64xf32, #tpu.memory_space<vmem>>, vector<16xf32>,
        %mul3A_75 = arith.mulf %get3A_74, %gather3A_71 : vector<16xf32>
        %swap3A_76 = arith.index_cast %add3A_46 : i32 to index
        %swap3A_77 = arith.constant 16 : index
        %swap3A_78 = tpu.vector_load %arg13[%swap3A_76, %swap3A_77] {strides = array<i32>} : memref<128x64xf32, #tpu.memory_space<vmem>>, vector<16xf32>,
        tpu.vector_store %arg13[%swap3A_76, %swap3A_77], %mul3A_75 {strides = array<i32>} : memref<128x64xf32, #tpu.memory_space<vmem>>, vector<16xf32>,
        %shift_right_logical3A_79 = arith.constant 3 : i32
        %shift_right_logical3A_80 = vector.broadcast %shift_right_logical3A_79 : i32 to vector<16xi32>
        %shift_right_logical3A_81 = arith.shrui %iota3A, %shift_right_logical3A_80 : vector<16xi32>
        %add3A_82 = arith.constant 4 : i32
        %add3A_83 = vector.broadcast %add3A_82 : i32 to vector<16xi32>
        %add3A_84 = arith.addi %shift_right_logical3A_81, %add3A_83 : vector<16xi32>
        %gather3A_85 = tpu.vector_load_idx %arg14[%add3A_84] : memref<16xf32, #tpu.memory_space<vmem>>[vector<16xi32>], vector<16xf32>,
        %get3A_86 = arith.index_cast %add3A_46 : i32 to index
        %get3A_87 = arith.constant 32 : index
        %get3A_88 = tpu.vector_load %arg10[%get3A_86, %get3A_87] {strides = array<i32>} : memref<128x64xf32, #tpu.memory_space<vmem>>, vector<16xf32>,
        %mul3A_89 = arith.mulf %get3A_88, %gather3A_85 : vector<16xf32>
        %swap3A_90 = arith.index_cast %add3A_46 : i32 to index
        %swap3A_91 = arith.constant 32 : index
        %swap3A_92 = tpu.vector_load %arg13[%swap3A_90, %swap3A_91] {strides = array<i32>} : memref<128x64xf32, #tpu.memory_space<vmem>>, vector<16xf32>,
        tpu.vector_store %arg13[%swap3A_90, %swap3A_91], %mul3A_89 {strides = array<i32>} : memref<128x64xf32, #tpu.memory_space<vmem>>, vector<16xf32>,
        %shift_right_logical3A_93 = arith.constant 3 : i32
        %shift_right_logical3A_94 = vector.broadcast %shift_right_logical3A_93 : i32 to vector<16xi32>
        %shift_right_logical3A_95 = arith.shrui %iota3A, %shift_right_logical3A_94 : vector<16xi32>
        %add3A_96 = arith.constant 6 : i32
        %add3A_97 = vector.broadcast %add3A_96 : i32 to vector<16xi32>
        %add3A_98 = arith.addi %shift_right_logical3A_95, %add3A_97 : vector<16xi32>
        %gather3A_99 = tpu.vector_load_idx %arg14[%add3A_98] : memref<16xf32, #tpu.memory_space<vmem>>[vector<16xi32>], vector<16xf32>,
        %get3A_100 = arith.index_cast %add3A_46 : i32 to index
        %get3A_101 = arith.constant 48 : index
        %get3A_102 = tpu.vector_load %arg10[%get3A_100, %get3A_101] {strides = array<i32>} : memref<128x64xf32, #tpu.memory_space<vmem>>, vector<16xf32>,
        %mul3A_103 = arith.mulf %get3A_102, %gather3A_99 : vector<16xf32>
        %swap3A_104 = arith.index_cast %add3A_46 : i32 to index
        %swap3A_105 = arith.constant 48 : index
        %swap3A_106 = tpu.vector_load %arg13[%swap3A_104, %swap3A_105] {strides = array<i32>} : memref<128x64xf32, #tpu.memory_space<vmem>>, vector<16xf32>,
        tpu.vector_store %arg13[%swap3A_104, %swap3A_105], %mul3A_103 {strides = array<i32>} : memref<128x64xf32, #tpu.memory_space<vmem>>, vector<16xf32>,
      }
      %scan3A_41 = arith.constant 128 : i32
      "tpu.region"() ({
        %run_scoped3A = tpu.sem_alloc : memref<!tpu.dma_semaphore, #tpu.memory_space<semaphore_mem>>
        %dma_start3A_42 = arith.constant 0 : i32
        %dma_start3A_43 = arith.constant 0 : i32
        %dma_start3A_44 = tpu.memref_slice %arg16[%dma_start3A_42, %dma_start3A_43] : memref<10112x64xf32, #tpu.memory_space<vmem_shared>> -> memref<10112x64xf32, #tpu.memory_space<vmem_shared>>
        tpu.enqueue_indirect_dma source(%arg13 : memref<128x64xf32, #tpu.memory_space<vmem>>) target(%dma_start3A_44 : memref<10112x64xf32, #tpu.memory_space<vmem_shared>>) offsets(%arg9 : memref<128xi32, #tpu.memory_space<vmem>>) semaphore(%run_scoped3A : memref<!tpu.dma_semaphore, #tpu.memory_space<semaphore_mem>>) {add = true}
        %dma_wait3A_45 = arith.constant 0 : i32
        %dma_wait3A_46 = arith.constant 0 : i32
        %dma_wait3A_47 = tpu.memref_slice %arg16[%dma_wait3A_45, %dma_wait3A_46] : memref<10112x64xf32, #tpu.memory_space<vmem_shared>> -> memref<10112x64xf32, #tpu.memory_space<vmem_shared>>
        tpu.wait_indirect_dma semaphore(%run_scoped3A : memref<!tpu.dma_semaphore, #tpu.memory_space<semaphore_mem>>) src(%arg13 : memref<128x64xf32, #tpu.memory_space<vmem>>) dst(%dma_wait3A_47 : memref<10112x64xf32, #tpu.memory_space<vmem_shared>>)
        tpu.yield
      }) : () -> ()
    }
    %scan3A_13 = arith.constant 81 : i32
    %barrier3A_14 = arith.constant 0 : index
    tpu.barrier barrier_id(%barrier3A_14)
    %mul3A_15 = arith.constant 632 : i32
    %mul3A_16 = arith.muli %arg1, %mul3A_15 : i32
    "tpu.region"() ({
      %run_scoped3A = tpu.sem_alloc : memref<!tpu.dma_semaphore, #tpu.memory_space<semaphore_mem>>
      %dma_start3A = arith.constant 0 : i32
      %dma_start3A_19 = tpu.memref_slice %arg16[%mul3A_16, %dma_start3A] : memref<10112x64xf32, #tpu.memory_space<vmem_shared>> -> memref<632x64xf32, #tpu.memory_space<vmem_shared>>
      %dma_start3A_20 = arith.constant 0 : i32
      %dma_start3A_21 = tpu.memref_slice %arg16[%mul3A_16, %dma_start3A_20] : memref<10112x64xf32, #tpu.memory_space<vmem_shared>> -> memref<632x64xf32, #tpu.memory_space<vmem_shared>>
      tpu.enqueue_dma source(%dma_start3A_21 : memref<632x64xf32, #tpu.memory_space<vmem_shared>>) target(%arg15 : memref<632x64xf32, #tpu.memory_space<vmem>>) target_semaphore(%run_scoped3A : memref<!tpu.dma_semaphore, #tpu.memory_space<semaphore_mem>>)
      %dma_wait3A = arith.constant 0 : i32
      %dma_wait3A_22 = tpu.memref_slice %arg16[%mul3A_16, %dma_wait3A] : memref<10112x64xf32, #tpu.memory_space<vmem_shared>> -> memref<632x64xf32, #tpu.memory_space<vmem_shared>>
      %dma_wait3A_23 = arith.constant 0 : i32
      %dma_wait3A_24 = tpu.memref_slice %arg16[%mul3A_16, %dma_wait3A_23] : memref<10112x64xf32, #tpu.memory_space<vmem_shared>> -> memref<632x64xf32, #tpu.memory_space<vmem_shared>>
      tpu.wait_dma2 semaphore(%run_scoped3A : memref<!tpu.dma_semaphore, #tpu.memory_space<semaphore_mem>>) src(%dma_wait3A_24 : memref<632x64xf32, #tpu.memory_space<vmem_shared>>) dst(%arg15 : memref<632x64xf32, #tpu.memory_space<vmem>>)
      tpu.yield
    }) : () -> ()
    %mul3A_17 = arith.constant 632 : i32
    %mul3A_18 = arith.muli %arg1, %mul3A_17 : i32
    "tpu.region"() ({
      %run_scoped3A = tpu.sem_alloc : memref<!tpu.dma_semaphore, #tpu.memory_space<semaphore_mem>>
      %dma_start3A = arith.constant 0 : i32
      %dma_start3A_19 = arith.constant 0 : i32
      %dma_start3A_20 = tpu.memref_slice %arg7[%arg0, %dma_start3A, %dma_start3A_19] : memref<2x10112x64xf32, #tpu.memory_space<hbm>> -> memref<1x10112x64xf32, #tpu.memory_space<hbm>>
      %dma_start3A_21 = tpu.memref_squeeze %dma_start3A_20 : memref<1x10112x64xf32, #tpu.memory_space<hbm>> -> memref<10112x64xf32, #tpu.memory_space<hbm>>
      %dma_start3A_22 = arith.constant 0 : i32
      %dma_start3A_23 = tpu.memref_slice %dma_start3A_21[%mul3A_18, %dma_start3A_22] : memref<10112x64xf32, #tpu.memory_space<hbm>> -> memref<632x64xf32, #tpu.memory_space<hbm>>
      %dma_start3A_24 = arith.constant 0 : i32
      %dma_start3A_25 = arith.constant 0 : i32
      %dma_start3A_26 = tpu.memref_slice %arg7[%arg0, %dma_start3A_24, %dma_start3A_25] : memref<2x10112x64xf32, #tpu.memory_space<hbm>> -> memref<1x10112x64xf32, #tpu.memory_space<hbm>>
      %dma_start3A_27 = tpu.memref_squeeze %dma_start3A_26 : memref<1x10112x64xf32, #tpu.memory_space<hbm>> -> memref<10112x64xf32, #tpu.memory_space<hbm>>
      %dma_start3A_28 = arith.constant 0 : i32
      %dma_start3A_29 = tpu.memref_slice %dma_start3A_27[%mul3A_18, %dma_start3A_28] : memref<10112x64xf32, #tpu.memory_space<hbm>> -> memref<632x64xf32, #tpu.memory_space<hbm>>
      tpu.enqueue_dma source(%arg15 : memref<632x64xf32, #tpu.memory_space<vmem>>) target(%dma_start3A_29 : memref<632x64xf32, #tpu.memory_space<hbm>>) target_semaphore(%run_scoped3A : memref<!tpu.dma_semaphore, #tpu.memory_space<semaphore_mem>>)
      %dma_wait3A = arith.constant 0 : i32
      %dma_wait3A_30 = arith.constant 0 : i32
      %dma_wait3A_31 = tpu.memref_slice %arg7[%arg0, %dma_wait3A, %dma_wait3A_30] : memref<2x10112x64xf32, #tpu.memory_space<hbm>> -> memref<1x10112x64xf32, #tpu.memory_space<hbm>>
      %dma_wait3A_32 = tpu.memref_squeeze %dma_wait3A_31 : memref<1x10112x64xf32, #tpu.memory_space<hbm>> -> memref<10112x64xf32, #tpu.memory_space<hbm>>
      %dma_wait3A_33 = arith.constant 0 : i32
      %dma_wait3A_34 = tpu.memref_slice %dma_wait3A_32[%mul3A_18, %dma_wait3A_33] : memref<10112x64xf32, #tpu.memory_space<hbm>> -> memref<632x64xf32, #tpu.memory_space<hbm>>
      %dma_wait3A_35 = arith.constant 0 : i32
      %dma_wait3A_36 = arith.constant 0 : i32
      %dma_wait3A_37 = tpu.memref_slice %arg7[%arg0, %dma_wait3A_35, %dma_wait3A_36] : memref<2x10112x64xf32, #tpu.memory_space<hbm>> -> memref<1x10112x64xf32, #tpu.memory_space<hbm>>
      %dma_wait3A_38 = tpu.memref_squeeze %dma_wait3A_37 : memref<1x10112x64xf32, #tpu.memory_space<hbm>> -> memref<10112x64xf32, #tpu.memory_space<hbm>>
      %dma_wait3A_39 = arith.constant 0 : i32
      %dma_wait3A_40 = tpu.memref_slice %dma_wait3A_38[%mul3A_18, %dma_wait3A_39] : memref<10112x64xf32, #tpu.memory_space<hbm>> -> memref<632x64xf32, #tpu.memory_space<hbm>>
      tpu.wait_dma2 semaphore(%run_scoped3A : memref<!tpu.dma_semaphore, #tpu.memory_space<semaphore_mem>>) src(%arg15 : memref<632x64xf32, #tpu.memory_space<vmem>>) dst(%dma_wait3A_40 : memref<632x64xf32, #tpu.memory_space<hbm>>)
      tpu.yield
    }) : () -> ()
    return
  }
}

#map = affine_map<(d0, d1) -> (0, 0)>
#map1 = affine_map<(d0, d1) -> (0)>
#map2 = affine_map<(d0, d1) -> (0, 0, 0)>
module attributes {stable_mosaic.version = 14 : i64} {
  func.func @k(%arg0: i32, %arg1: i32, %arg2: memref<10112x16xf32, #tpu.memory_space<hbm>>, %arg3: memref<10112x16xf32, #tpu.memory_space<hbm>>, %arg4: memref<331776xi32, #tpu.memory_space<hbm>>, %arg5: memref<331776xi32, #tpu.memory_space<hbm>>, %arg6: memref<331776x16xf32, #tpu.memory_space<hbm>>, %arg7: memref<2x10112x16xf32, #tpu.memory_space<hbm>>, %arg8: memref<128xi32, #tpu.memory_space<vmem>>, %arg9: memref<128xi32, #tpu.memory_space<vmem>>, %arg10: memref<128x16xf32, #tpu.memory_space<vmem>>, %arg11: memref<128x16xf32, #tpu.memory_space<vmem>>, %arg12: memref<128x16xf32, #tpu.memory_space<vmem>>, %arg13: memref<632x16xf32, #tpu.memory_space<vmem>>, %arg14: memref<10112x16xf32, #tpu.memory_space<vmem_shared>>, %arg15: memref<!tpu.dma_semaphore, #tpu.memory_space<semaphore_mem>>, %arg16: memref<!tpu.dma_semaphore, #tpu.memory_space<semaphore_mem>>) attributes {dimension_semantics = [#tpu.dimension_semantics<core_parallel>, #tpu.dimension_semantics<subcore_parallel>], iteration_bounds = array<i64: 2, 16>, scalar_prefetch = 0 : i64, scratch_operands = 9 : i64, tpu.core_type = #tpu.core_type<sc_vector_subcore>, window_params = [{transform_indices = #map}, {transform_indices = #map}, {transform_indices = #map1}, {transform_indices = #map1}, {transform_indices = #map}, {transform_indices = #map2}]} {
    %mul3A = arith.constant 16 : i32
    %mul3A_0 = arith.muli %arg0, %mul3A : i32
    %add3A = arith.addi %mul3A_0, %arg1 : i32
    %iota3A = tpu.iota {dimensions = array<i32: 0>} : vector<16xi32>
    %lt3A = arith.constant 8 : i32
    %lt3A_1 = vector.broadcast %lt3A : i32 to vector<16xi32>
    %lt3A_2 = arith.cmpi slt, %iota3A, %lt3A_1 : vector<16xi32>
    %convert_element_type3A = arith.extui %lt3A_2 : vector<16xi1> to vector<16xi32>
    %convert_element_type3A_3 = arith.sitofp %convert_element_type3A : vector<16xi32> to vector<16xf32>
    %scan3A = arith.constant 0 : i32
    %scan3A_4 = arith.constant 632 : i32
    %scan3A_5 = arith.addi %scan3A, %scan3A_4 : i32
    %scan3A_6 = arith.constant 1 : i32
    scf.for %scan3A_22 = %scan3A to %scan3A_5 step %scan3A_6  : i32 {
      %mul3A_23 = arith.constant 1 : i32
      %mul3A_24 = arith.muli %scan3A_22, %mul3A_23 : i32
      %add3A_25 = arith.constant 0 : i32
      %add3A_26 = arith.addi %add3A_25, %mul3A_24 : i32
      %broadcast_in_dim3A = arith.constant 0.000000e+00 : f32
      %broadcast_in_dim3A_27 = vector.broadcast %broadcast_in_dim3A : f32 to vector<16xf32>
      %swap3A = arith.index_cast %add3A_26 : i32 to index
      %swap3A_28 = arith.constant 0 : index
      %swap3A_29 = tpu.vector_load %arg13[%swap3A, %swap3A_28] {strides = array<i32>} : memref<632x16xf32, #tpu.memory_space<vmem>>, vector<16xf32>,
      tpu.vector_store %arg13[%swap3A, %swap3A_28], %broadcast_in_dim3A_27 {strides = array<i32>} : memref<632x16xf32, #tpu.memory_space<vmem>>, vector<16xf32>,
    }
    %scan3A_7 = arith.constant 632 : i32
    %mul3A_8 = arith.constant 632 : i32
    %mul3A_9 = arith.muli %arg1, %mul3A_8 : i32
    "tpu.region"() ({
      %run_scoped3A = tpu.sem_alloc : memref<!tpu.dma_semaphore, #tpu.memory_space<semaphore_mem>>
      %dma_start3A = arith.constant 0 : i32
      %dma_start3A_22 = tpu.memref_slice %arg14[%mul3A_9, %dma_start3A] : memref<10112x16xf32, #tpu.memory_space<vmem_shared>> -> memref<632x16xf32, #tpu.memory_space<vmem_shared>>
      %dma_start3A_23 = arith.constant 0 : i32
      %dma_start3A_24 = tpu.memref_slice %arg14[%mul3A_9, %dma_start3A_23] : memref<10112x16xf32, #tpu.memory_space<vmem_shared>> -> memref<632x16xf32, #tpu.memory_space<vmem_shared>>
      tpu.enqueue_dma source(%arg13 : memref<632x16xf32, #tpu.memory_space<vmem>>) target(%dma_start3A_24 : memref<632x16xf32, #tpu.memory_space<vmem_shared>>) target_semaphore(%run_scoped3A : memref<!tpu.dma_semaphore, #tpu.memory_space<semaphore_mem>>)
      %dma_wait3A = arith.constant 0 : i32
      %dma_wait3A_25 = tpu.memref_slice %arg14[%mul3A_9, %dma_wait3A] : memref<10112x16xf32, #tpu.memory_space<vmem_shared>> -> memref<632x16xf32, #tpu.memory_space<vmem_shared>>
      %dma_wait3A_26 = arith.constant 0 : i32
      %dma_wait3A_27 = tpu.memref_slice %arg14[%mul3A_9, %dma_wait3A_26] : memref<10112x16xf32, #tpu.memory_space<vmem_shared>> -> memref<632x16xf32, #tpu.memory_space<vmem_shared>>
      tpu.wait_dma2 semaphore(%run_scoped3A : memref<!tpu.dma_semaphore, #tpu.memory_space<semaphore_mem>>) src(%arg13 : memref<632x16xf32, #tpu.memory_space<vmem>>) dst(%dma_wait3A_27 : memref<632x16xf32, #tpu.memory_space<vmem_shared>>)
      tpu.yield
    }) : () -> ()
    %barrier3A = arith.constant 0 : index
    tpu.barrier barrier_id(%barrier3A)
    %mul3A_10 = arith.constant 10368 : i32
    %mul3A_11 = arith.muli %add3A, %mul3A_10 : i32
    %scan3A_12 = arith.constant 0 : i32
    %scan3A_13 = arith.constant 81 : i32
    %scan3A_14 = arith.addi %scan3A_12, %scan3A_13 : i32
    %scan3A_15 = arith.constant 1 : i32
    scf.for %scan3A_22 = %scan3A_12 to %scan3A_14 step %scan3A_15  : i32 {
      %mul3A_23 = arith.constant 1 : i32
      %mul3A_24 = arith.muli %scan3A_22, %mul3A_23 : i32
      %add3A_25 = arith.constant 0 : i32
      %add3A_26 = arith.addi %add3A_25, %mul3A_24 : i32
      %mul3A_27 = arith.constant 128 : i32
      %mul3A_28 = arith.muli %add3A_26, %mul3A_27 : i32
      %add3A_29 = arith.addi %mul3A_11, %mul3A_28 : i32
      "tpu.region"() ({
        %run_scoped3A = tpu.sem_alloc : memref<!tpu.dma_semaphore, #tpu.memory_space<semaphore_mem>>
        %dma_start3A_45 = tpu.memref_slice %arg4[%add3A_29] : memref<331776xi32, #tpu.memory_space<hbm>> -> memref<128xi32, #tpu.memory_space<hbm>>
        %dma_start3A_46 = tpu.memref_slice %arg4[%add3A_29] : memref<331776xi32, #tpu.memory_space<hbm>> -> memref<128xi32, #tpu.memory_space<hbm>>
        tpu.enqueue_dma source(%dma_start3A_46 : memref<128xi32, #tpu.memory_space<hbm>>) target(%arg8 : memref<128xi32, #tpu.memory_space<vmem>>) target_semaphore(%run_scoped3A : memref<!tpu.dma_semaphore, #tpu.memory_space<semaphore_mem>>)
        %dma_wait3A_47 = tpu.memref_slice %arg4[%add3A_29] : memref<331776xi32, #tpu.memory_space<hbm>> -> memref<128xi32, #tpu.memory_space<hbm>>
        %dma_wait3A_48 = tpu.memref_slice %arg4[%add3A_29] : memref<331776xi32, #tpu.memory_space<hbm>> -> memref<128xi32, #tpu.memory_space<hbm>>
        tpu.wait_dma2 semaphore(%run_scoped3A : memref<!tpu.dma_semaphore, #tpu.memory_space<semaphore_mem>>) src(%dma_wait3A_48 : memref<128xi32, #tpu.memory_space<hbm>>) dst(%arg8 : memref<128xi32, #tpu.memory_space<vmem>>)
        tpu.yield
      }) : () -> ()
      "tpu.region"() ({
        %run_scoped3A = tpu.sem_alloc : memref<!tpu.dma_semaphore, #tpu.memory_space<semaphore_mem>>
        %dma_start3A_45 = tpu.memref_slice %arg5[%add3A_29] : memref<331776xi32, #tpu.memory_space<hbm>> -> memref<128xi32, #tpu.memory_space<hbm>>
        %dma_start3A_46 = tpu.memref_slice %arg5[%add3A_29] : memref<331776xi32, #tpu.memory_space<hbm>> -> memref<128xi32, #tpu.memory_space<hbm>>
        tpu.enqueue_dma source(%dma_start3A_46 : memref<128xi32, #tpu.memory_space<hbm>>) target(%arg9 : memref<128xi32, #tpu.memory_space<vmem>>) target_semaphore(%run_scoped3A : memref<!tpu.dma_semaphore, #tpu.memory_space<semaphore_mem>>)
        %dma_wait3A_47 = tpu.memref_slice %arg5[%add3A_29] : memref<331776xi32, #tpu.memory_space<hbm>> -> memref<128xi32, #tpu.memory_space<hbm>>
        %dma_wait3A_48 = tpu.memref_slice %arg5[%add3A_29] : memref<331776xi32, #tpu.memory_space<hbm>> -> memref<128xi32, #tpu.memory_space<hbm>>
        tpu.wait_dma2 semaphore(%run_scoped3A : memref<!tpu.dma_semaphore, #tpu.memory_space<semaphore_mem>>) src(%dma_wait3A_48 : memref<128xi32, #tpu.memory_space<hbm>>) dst(%arg9 : memref<128xi32, #tpu.memory_space<vmem>>)
        tpu.yield
      }) : () -> ()
      %dma_start3A = arith.constant 0 : i32
      %dma_start3A_30 = arith.constant 0 : i32
      %dma_start3A_31 = tpu.memref_slice %arg2[%dma_start3A, %dma_start3A_30] : memref<10112x16xf32, #tpu.memory_space<hbm>> -> memref<10112x16xf32, #tpu.memory_space<hbm>>
      tpu.enqueue_indirect_dma source(%dma_start3A_31 : memref<10112x16xf32, #tpu.memory_space<hbm>>) target(%arg10 : memref<128x16xf32, #tpu.memory_space<vmem>>) offsets(%arg8 : memref<128xi32, #tpu.memory_space<vmem>>) semaphore(%arg15 : memref<!tpu.dma_semaphore, #tpu.memory_space<semaphore_mem>>)
      %dma_start3A_32 = arith.constant 0 : i32
      %dma_start3A_33 = arith.constant 0 : i32
      %dma_start3A_34 = tpu.memref_slice %arg3[%dma_start3A_32, %dma_start3A_33] : memref<10112x16xf32, #tpu.memory_space<hbm>> -> memref<10112x16xf32, #tpu.memory_space<hbm>>
      tpu.enqueue_indirect_dma source(%dma_start3A_34 : memref<10112x16xf32, #tpu.memory_space<hbm>>) target(%arg11 : memref<128x16xf32, #tpu.memory_space<vmem>>) offsets(%arg9 : memref<128xi32, #tpu.memory_space<vmem>>) semaphore(%arg16 : memref<!tpu.dma_semaphore, #tpu.memory_space<semaphore_mem>>)
      %dma_wait3A = arith.constant 0 : i32
      %dma_wait3A_35 = arith.constant 0 : i32
      %dma_wait3A_36 = tpu.memref_slice %arg2[%dma_wait3A, %dma_wait3A_35] : memref<10112x16xf32, #tpu.memory_space<hbm>> -> memref<10112x16xf32, #tpu.memory_space<hbm>>
      tpu.wait_indirect_dma semaphore(%arg15 : memref<!tpu.dma_semaphore, #tpu.memory_space<semaphore_mem>>) src(%dma_wait3A_36 : memref<10112x16xf32, #tpu.memory_space<hbm>>) dst(%arg10 : memref<128x16xf32, #tpu.memory_space<vmem>>)
      %dma_wait3A_37 = arith.constant 0 : i32
      %dma_wait3A_38 = arith.constant 0 : i32
      %dma_wait3A_39 = tpu.memref_slice %arg3[%dma_wait3A_37, %dma_wait3A_38] : memref<10112x16xf32, #tpu.memory_space<hbm>> -> memref<10112x16xf32, #tpu.memory_space<hbm>>
      tpu.wait_indirect_dma semaphore(%arg16 : memref<!tpu.dma_semaphore, #tpu.memory_space<semaphore_mem>>) src(%dma_wait3A_39 : memref<10112x16xf32, #tpu.memory_space<hbm>>) dst(%arg11 : memref<128x16xf32, #tpu.memory_space<vmem>>)
      %scan3A_40 = arith.constant 0 : i32
      %scan3A_41 = arith.constant 128 : i32
      %scan3A_42 = arith.addi %scan3A_40, %scan3A_41 : i32
      %scan3A_43 = arith.constant 1 : i32
      scf.for %scan3A_45 = %scan3A_40 to %scan3A_42 step %scan3A_43  : i32 {
        %mul3A_46 = arith.constant 1 : i32
        %mul3A_47 = arith.muli %scan3A_45, %mul3A_46 : i32
        %add3A_48 = arith.constant 0 : i32
        %add3A_49 = arith.addi %add3A_48, %mul3A_47 : i32
        %get3A = arith.index_cast %add3A_49 : i32 to index
        %get3A_50 = arith.constant 0 : index
        %get3A_51 = tpu.vector_load %arg10[%get3A, %get3A_50] {strides = array<i32>} : memref<128x16xf32, #tpu.memory_space<vmem>>, vector<16xf32>,
        %get3A_52 = arith.index_cast %add3A_49 : i32 to index
        %get3A_53 = arith.constant 0 : index
        %get3A_54 = tpu.vector_load %arg11[%get3A_52, %get3A_53] {strides = array<i32>} : memref<128x16xf32, #tpu.memory_space<vmem>>, vector<16xf32>,
        %add3A_55 = arith.addf %get3A_51, %get3A_54 : vector<16xf32>
        %mul3A_56 = arith.constant 2.000000e-01 : f32
        %mul3A_57 = vector.broadcast %mul3A_56 : f32 to vector<16xf32>
        %mul3A_58 = arith.mulf %mul3A_57, %add3A_55 : vector<16xf32>
        %max3A = arith.maximumf %add3A_55, %mul3A_58 : vector<16xf32>
        %broadcast_in_dim3A = vector.broadcast %add3A_49 : i32 to vector<16xi32>
        %add3A_59 = arith.constant 8 : i32
        %add3A_60 = vector.broadcast %add3A_59 : i32 to vector<16xi32>
        %add3A_61 = arith.addi %iota3A, %add3A_60 : vector<16xi32>
        %and3A = arith.constant 15 : i32
        %and3A_62 = vector.broadcast %and3A : i32 to vector<16xi32>
        %and3A_63 = arith.andi %add3A_61, %and3A_62 : vector<16xi32>
        %gather3A = tpu.vector_load_idx %arg11[%broadcast_in_dim3A, %and3A_63] : memref<128x16xf32, #tpu.memory_space<vmem>>[vector<16xi32>, vector<16xi32>], vector<16xf32>,
        %sub3A = arith.subf %max3A, %gather3A : vector<16xf32>
        %exp3A = math.exp %sub3A : vector<16xf32>
        %mul3A_64 = arith.mulf %exp3A, %convert_element_type3A_3 : vector<16xf32>
        %swap3A = arith.index_cast %add3A_49 : i32 to index
        %swap3A_65 = arith.constant 0 : index
        %swap3A_66 = tpu.vector_load %arg12[%swap3A, %swap3A_65] {strides = array<i32>} : memref<128x16xf32, #tpu.memory_space<vmem>>, vector<16xf32>,
        tpu.vector_store %arg12[%swap3A, %swap3A_65], %mul3A_64 {strides = array<i32>} : memref<128x16xf32, #tpu.memory_space<vmem>>, vector<16xf32>,
      }
      %scan3A_44 = arith.constant 128 : i32
      "tpu.region"() ({
        %run_scoped3A = tpu.sem_alloc : memref<!tpu.dma_semaphore, #tpu.memory_space<semaphore_mem>>
        %dma_start3A_45 = arith.constant 0 : i32
        %dma_start3A_46 = tpu.memref_slice %arg6[%add3A_29, %dma_start3A_45] : memref<331776x16xf32, #tpu.memory_space<hbm>> -> memref<128x16xf32, #tpu.memory_space<hbm>>
        %dma_start3A_47 = arith.constant 0 : i32
        %dma_start3A_48 = tpu.memref_slice %arg6[%add3A_29, %dma_start3A_47] : memref<331776x16xf32, #tpu.memory_space<hbm>> -> memref<128x16xf32, #tpu.memory_space<hbm>>
        tpu.enqueue_dma source(%arg12 : memref<128x16xf32, #tpu.memory_space<vmem>>) target(%dma_start3A_48 : memref<128x16xf32, #tpu.memory_space<hbm>>) target_semaphore(%run_scoped3A : memref<!tpu.dma_semaphore, #tpu.memory_space<semaphore_mem>>)
        %dma_wait3A_49 = arith.constant 0 : i32
        %dma_wait3A_50 = tpu.memref_slice %arg6[%add3A_29, %dma_wait3A_49] : memref<331776x16xf32, #tpu.memory_space<hbm>> -> memref<128x16xf32, #tpu.memory_space<hbm>>
        %dma_wait3A_51 = arith.constant 0 : i32
        %dma_wait3A_52 = tpu.memref_slice %arg6[%add3A_29, %dma_wait3A_51] : memref<331776x16xf32, #tpu.memory_space<hbm>> -> memref<128x16xf32, #tpu.memory_space<hbm>>
        tpu.wait_dma2 semaphore(%run_scoped3A : memref<!tpu.dma_semaphore, #tpu.memory_space<semaphore_mem>>) src(%arg12 : memref<128x16xf32, #tpu.memory_space<vmem>>) dst(%dma_wait3A_52 : memref<128x16xf32, #tpu.memory_space<hbm>>)
        tpu.yield
      }) : () -> ()
      "tpu.region"() ({
        %run_scoped3A = tpu.sem_alloc : memref<!tpu.dma_semaphore, #tpu.memory_space<semaphore_mem>>
        %dma_start3A_45 = arith.constant 0 : i32
        %dma_start3A_46 = arith.constant 0 : i32
        %dma_start3A_47 = tpu.memref_slice %arg14[%dma_start3A_45, %dma_start3A_46] : memref<10112x16xf32, #tpu.memory_space<vmem_shared>> -> memref<10112x16xf32, #tpu.memory_space<vmem_shared>>
        tpu.enqueue_indirect_dma source(%arg12 : memref<128x16xf32, #tpu.memory_space<vmem>>) target(%dma_start3A_47 : memref<10112x16xf32, #tpu.memory_space<vmem_shared>>) offsets(%arg9 : memref<128xi32, #tpu.memory_space<vmem>>) semaphore(%run_scoped3A : memref<!tpu.dma_semaphore, #tpu.memory_space<semaphore_mem>>) {add = true}
        %dma_wait3A_48 = arith.constant 0 : i32
        %dma_wait3A_49 = arith.constant 0 : i32
        %dma_wait3A_50 = tpu.memref_slice %arg14[%dma_wait3A_48, %dma_wait3A_49] : memref<10112x16xf32, #tpu.memory_space<vmem_shared>> -> memref<10112x16xf32, #tpu.memory_space<vmem_shared>>
        tpu.wait_indirect_dma semaphore(%run_scoped3A : memref<!tpu.dma_semaphore, #tpu.memory_space<semaphore_mem>>) src(%arg12 : memref<128x16xf32, #tpu.memory_space<vmem>>) dst(%dma_wait3A_50 : memref<10112x16xf32, #tpu.memory_space<vmem_shared>>)
        tpu.yield
      }) : () -> ()
    }
    %scan3A_16 = arith.constant 81 : i32
    %barrier3A_17 = arith.constant 0 : index
    tpu.barrier barrier_id(%barrier3A_17)
    %mul3A_18 = arith.constant 632 : i32
    %mul3A_19 = arith.muli %arg1, %mul3A_18 : i32
    "tpu.region"() ({
      %run_scoped3A = tpu.sem_alloc : memref<!tpu.dma_semaphore, #tpu.memory_space<semaphore_mem>>
      %dma_start3A = arith.constant 0 : i32
      %dma_start3A_22 = tpu.memref_slice %arg14[%mul3A_19, %dma_start3A] : memref<10112x16xf32, #tpu.memory_space<vmem_shared>> -> memref<632x16xf32, #tpu.memory_space<vmem_shared>>
      %dma_start3A_23 = arith.constant 0 : i32
      %dma_start3A_24 = tpu.memref_slice %arg14[%mul3A_19, %dma_start3A_23] : memref<10112x16xf32, #tpu.memory_space<vmem_shared>> -> memref<632x16xf32, #tpu.memory_space<vmem_shared>>
      tpu.enqueue_dma source(%dma_start3A_24 : memref<632x16xf32, #tpu.memory_space<vmem_shared>>) target(%arg13 : memref<632x16xf32, #tpu.memory_space<vmem>>) target_semaphore(%run_scoped3A : memref<!tpu.dma_semaphore, #tpu.memory_space<semaphore_mem>>)
      %dma_wait3A = arith.constant 0 : i32
      %dma_wait3A_25 = tpu.memref_slice %arg14[%mul3A_19, %dma_wait3A] : memref<10112x16xf32, #tpu.memory_space<vmem_shared>> -> memref<632x16xf32, #tpu.memory_space<vmem_shared>>
      %dma_wait3A_26 = arith.constant 0 : i32
      %dma_wait3A_27 = tpu.memref_slice %arg14[%mul3A_19, %dma_wait3A_26] : memref<10112x16xf32, #tpu.memory_space<vmem_shared>> -> memref<632x16xf32, #tpu.memory_space<vmem_shared>>
      tpu.wait_dma2 semaphore(%run_scoped3A : memref<!tpu.dma_semaphore, #tpu.memory_space<semaphore_mem>>) src(%dma_wait3A_27 : memref<632x16xf32, #tpu.memory_space<vmem_shared>>) dst(%arg13 : memref<632x16xf32, #tpu.memory_space<vmem>>)
      tpu.yield
    }) : () -> ()
    %mul3A_20 = arith.constant 632 : i32
    %mul3A_21 = arith.muli %arg1, %mul3A_20 : i32
    "tpu.region"() ({
      %run_scoped3A = tpu.sem_alloc : memref<!tpu.dma_semaphore, #tpu.memory_space<semaphore_mem>>
      %dma_start3A = arith.constant 0 : i32
      %dma_start3A_22 = arith.constant 0 : i32
      %dma_start3A_23 = tpu.memref_slice %arg7[%arg0, %dma_start3A, %dma_start3A_22] : memref<2x10112x16xf32, #tpu.memory_space<hbm>> -> memref<1x10112x16xf32, #tpu.memory_space<hbm>>
      %dma_start3A_24 = tpu.memref_squeeze %dma_start3A_23 : memref<1x10112x16xf32, #tpu.memory_space<hbm>> -> memref<10112x16xf32, #tpu.memory_space<hbm>>
      %dma_start3A_25 = arith.constant 0 : i32
      %dma_start3A_26 = tpu.memref_slice %dma_start3A_24[%mul3A_21, %dma_start3A_25] : memref<10112x16xf32, #tpu.memory_space<hbm>> -> memref<632x16xf32, #tpu.memory_space<hbm>>
      %dma_start3A_27 = arith.constant 0 : i32
      %dma_start3A_28 = arith.constant 0 : i32
      %dma_start3A_29 = tpu.memref_slice %arg7[%arg0, %dma_start3A_27, %dma_start3A_28] : memref<2x10112x16xf32, #tpu.memory_space<hbm>> -> memref<1x10112x16xf32, #tpu.memory_space<hbm>>
      %dma_start3A_30 = tpu.memref_squeeze %dma_start3A_29 : memref<1x10112x16xf32, #tpu.memory_space<hbm>> -> memref<10112x16xf32, #tpu.memory_space<hbm>>
      %dma_start3A_31 = arith.constant 0 : i32
      %dma_start3A_32 = tpu.memref_slice %dma_start3A_30[%mul3A_21, %dma_start3A_31] : memref<10112x16xf32, #tpu.memory_space<hbm>> -> memref<632x16xf32, #tpu.memory_space<hbm>>
      tpu.enqueue_dma source(%arg13 : memref<632x16xf32, #tpu.memory_space<vmem>>) target(%dma_start3A_32 : memref<632x16xf32, #tpu.memory_space<hbm>>) target_semaphore(%run_scoped3A : memref<!tpu.dma_semaphore, #tpu.memory_space<semaphore_mem>>)
      %dma_wait3A = arith.constant 0 : i32
      %dma_wait3A_33 = arith.constant 0 : i32
      %dma_wait3A_34 = tpu.memref_slice %arg7[%arg0, %dma_wait3A, %dma_wait3A_33] : memref<2x10112x16xf32, #tpu.memory_space<hbm>> -> memref<1x10112x16xf32, #tpu.memory_space<hbm>>
      %dma_wait3A_35 = tpu.memref_squeeze %dma_wait3A_34 : memref<1x10112x16xf32, #tpu.memory_space<hbm>> -> memref<10112x16xf32, #tpu.memory_space<hbm>>
      %dma_wait3A_36 = arith.constant 0 : i32
      %dma_wait3A_37 = tpu.memref_slice %dma_wait3A_35[%mul3A_21, %dma_wait3A_36] : memref<10112x16xf32, #tpu.memory_space<hbm>> -> memref<632x16xf32, #tpu.memory_space<hbm>>
      %dma_wait3A_38 = arith.constant 0 : i32
      %dma_wait3A_39 = arith.constant 0 : i32
      %dma_wait3A_40 = tpu.memref_slice %arg7[%arg0, %dma_wait3A_38, %dma_wait3A_39] : memref<2x10112x16xf32, #tpu.memory_space<hbm>> -> memref<1x10112x16xf32, #tpu.memory_space<hbm>>
      %dma_wait3A_41 = tpu.memref_squeeze %dma_wait3A_40 : memref<1x10112x16xf32, #tpu.memory_space<hbm>> -> memref<10112x16xf32, #tpu.memory_space<hbm>>
      %dma_wait3A_42 = arith.constant 0 : i32
      %dma_wait3A_43 = tpu.memref_slice %dma_wait3A_41[%mul3A_21, %dma_wait3A_42] : memref<10112x16xf32, #tpu.memory_space<hbm>> -> memref<632x16xf32, #tpu.memory_space<hbm>>
      tpu.wait_dma2 semaphore(%run_scoped3A : memref<!tpu.dma_semaphore, #tpu.memory_space<semaphore_mem>>) src(%arg13 : memref<632x16xf32, #tpu.memory_space<vmem>>) dst(%dma_wait3A_43 : memref<632x16xf32, #tpu.memory_space<hbm>>)
      tpu.yield
    }) : () -> ()
    return
  }
}

#map = affine_map<(d0, d1) -> (0, 0)>
#map1 = affine_map<(d0, d1) -> (0)>
#map2 = affine_map<(d0, d1) -> (0, 0, 0)>
module attributes {stable_mosaic.version = 14 : i64} {
  func.func @k(%arg0: i32, %arg1: i32, %arg2: memref<10112x32xf32, #tpu.memory_space<hbm>>, %arg3: memref<10112x16xf32, #tpu.memory_space<hbm>>, %arg4: memref<331776x16xf32, #tpu.memory_space<hbm>>, %arg5: memref<331776xi32, #tpu.memory_space<hbm>>, %arg6: memref<331776xi32, #tpu.memory_space<hbm>>, %arg7: memref<2x10112x32xf32, #tpu.memory_space<hbm>>, %arg8: memref<128xi32, #tpu.memory_space<vmem>>, %arg9: memref<128xi32, #tpu.memory_space<vmem>>, %arg10: memref<128x32xf32, #tpu.memory_space<vmem>>, %arg11: memref<128x16xf32, #tpu.memory_space<vmem>>, %arg12: memref<128x16xf32, #tpu.memory_space<vmem>>, %arg13: memref<128x32xf32, #tpu.memory_space<vmem>>, %arg14: memref<16xf32, #tpu.memory_space<vmem>>, %arg15: memref<632x32xf32, #tpu.memory_space<vmem>>, %arg16: memref<10112x32xf32, #tpu.memory_space<vmem_shared>>, %arg17: memref<!tpu.dma_semaphore, #tpu.memory_space<semaphore_mem>>, %arg18: memref<!tpu.dma_semaphore, #tpu.memory_space<semaphore_mem>>) attributes {dimension_semantics = [#tpu.dimension_semantics<core_parallel>, #tpu.dimension_semantics<subcore_parallel>], iteration_bounds = array<i64: 2, 16>, scalar_prefetch = 0 : i64, scratch_operands = 11 : i64, tpu.core_type = #tpu.core_type<sc_vector_subcore>, window_params = [{transform_indices = #map}, {transform_indices = #map}, {transform_indices = #map}, {transform_indices = #map1}, {transform_indices = #map1}, {transform_indices = #map2}]} {
    %mul3A = arith.constant 16 : i32
    %mul3A_0 = arith.muli %arg0, %mul3A : i32
    %add3A = arith.addi %mul3A_0, %arg1 : i32
    %iota3A = tpu.iota {dimensions = array<i32: 0>} : vector<16xi32>
    %scan3A = arith.constant 0 : i32
    %scan3A_1 = arith.constant 632 : i32
    %scan3A_2 = arith.addi %scan3A, %scan3A_1 : i32
    %scan3A_3 = arith.constant 1 : i32
    scf.for %scan3A_19 = %scan3A to %scan3A_2 step %scan3A_3  : i32 {
      %mul3A_20 = arith.constant 1 : i32
      %mul3A_21 = arith.muli %scan3A_19, %mul3A_20 : i32
      %add3A_22 = arith.constant 0 : i32
      %add3A_23 = arith.addi %add3A_22, %mul3A_21 : i32
      %broadcast_in_dim3A = arith.constant 0.000000e+00 : f32
      %broadcast_in_dim3A_24 = vector.broadcast %broadcast_in_dim3A : f32 to vector<16xf32>
      %swap3A = arith.index_cast %add3A_23 : i32 to index
      %swap3A_25 = arith.constant 0 : index
      %swap3A_26 = tpu.vector_load %arg15[%swap3A, %swap3A_25] {strides = array<i32>} : memref<632x32xf32, #tpu.memory_space<vmem>>, vector<16xf32>,
      tpu.vector_store %arg15[%swap3A, %swap3A_25], %broadcast_in_dim3A_24 {strides = array<i32>} : memref<632x32xf32, #tpu.memory_space<vmem>>, vector<16xf32>,
      %broadcast_in_dim3A_27 = arith.constant 0.000000e+00 : f32
      %broadcast_in_dim3A_28 = vector.broadcast %broadcast_in_dim3A_27 : f32 to vector<16xf32>
      %swap3A_29 = arith.index_cast %add3A_23 : i32 to index
      %swap3A_30 = arith.constant 16 : index
      %swap3A_31 = tpu.vector_load %arg15[%swap3A_29, %swap3A_30] {strides = array<i32>} : memref<632x32xf32, #tpu.memory_space<vmem>>, vector<16xf32>,
      tpu.vector_store %arg15[%swap3A_29, %swap3A_30], %broadcast_in_dim3A_28 {strides = array<i32>} : memref<632x32xf32, #tpu.memory_space<vmem>>, vector<16xf32>,
    }
    %scan3A_4 = arith.constant 632 : i32
    %mul3A_5 = arith.constant 632 : i32
    %mul3A_6 = arith.muli %arg1, %mul3A_5 : i32
    "tpu.region"() ({
      %run_scoped3A = tpu.sem_alloc : memref<!tpu.dma_semaphore, #tpu.memory_space<semaphore_mem>>
      %dma_start3A = arith.constant 0 : i32
      %dma_start3A_19 = tpu.memref_slice %arg16[%mul3A_6, %dma_start3A] : memref<10112x32xf32, #tpu.memory_space<vmem_shared>> -> memref<632x32xf32, #tpu.memory_space<vmem_shared>>
      %dma_start3A_20 = arith.constant 0 : i32
      %dma_start3A_21 = tpu.memref_slice %arg16[%mul3A_6, %dma_start3A_20] : memref<10112x32xf32, #tpu.memory_space<vmem_shared>> -> memref<632x32xf32, #tpu.memory_space<vmem_shared>>
      tpu.enqueue_dma source(%arg15 : memref<632x32xf32, #tpu.memory_space<vmem>>) target(%dma_start3A_21 : memref<632x32xf32, #tpu.memory_space<vmem_shared>>) target_semaphore(%run_scoped3A : memref<!tpu.dma_semaphore, #tpu.memory_space<semaphore_mem>>)
      %dma_wait3A = arith.constant 0 : i32
      %dma_wait3A_22 = tpu.memref_slice %arg16[%mul3A_6, %dma_wait3A] : memref<10112x32xf32, #tpu.memory_space<vmem_shared>> -> memref<632x32xf32, #tpu.memory_space<vmem_shared>>
      %dma_wait3A_23 = arith.constant 0 : i32
      %dma_wait3A_24 = tpu.memref_slice %arg16[%mul3A_6, %dma_wait3A_23] : memref<10112x32xf32, #tpu.memory_space<vmem_shared>> -> memref<632x32xf32, #tpu.memory_space<vmem_shared>>
      tpu.wait_dma2 semaphore(%run_scoped3A : memref<!tpu.dma_semaphore, #tpu.memory_space<semaphore_mem>>) src(%arg15 : memref<632x32xf32, #tpu.memory_space<vmem>>) dst(%dma_wait3A_24 : memref<632x32xf32, #tpu.memory_space<vmem_shared>>)
      tpu.yield
    }) : () -> ()
    %barrier3A = arith.constant 0 : index
    tpu.barrier barrier_id(%barrier3A)
    %mul3A_7 = arith.constant 10368 : i32
    %mul3A_8 = arith.muli %add3A, %mul3A_7 : i32
    %scan3A_9 = arith.constant 0 : i32
    %scan3A_10 = arith.constant 81 : i32
    %scan3A_11 = arith.addi %scan3A_9, %scan3A_10 : i32
    %scan3A_12 = arith.constant 1 : i32
    scf.for %scan3A_19 = %scan3A_9 to %scan3A_11 step %scan3A_12  : i32 {
      %mul3A_20 = arith.constant 1 : i32
      %mul3A_21 = arith.muli %scan3A_19, %mul3A_20 : i32
      %add3A_22 = arith.constant 0 : i32
      %add3A_23 = arith.addi %add3A_22, %mul3A_21 : i32
      %mul3A_24 = arith.constant 128 : i32
      %mul3A_25 = arith.muli %add3A_23, %mul3A_24 : i32
      %add3A_26 = arith.addi %mul3A_8, %mul3A_25 : i32
      "tpu.region"() ({
        %run_scoped3A = tpu.sem_alloc : memref<!tpu.dma_semaphore, #tpu.memory_space<semaphore_mem>>
        %dma_start3A_42 = tpu.memref_slice %arg5[%add3A_26] : memref<331776xi32, #tpu.memory_space<hbm>> -> memref<128xi32, #tpu.memory_space<hbm>>
        %dma_start3A_43 = tpu.memref_slice %arg5[%add3A_26] : memref<331776xi32, #tpu.memory_space<hbm>> -> memref<128xi32, #tpu.memory_space<hbm>>
        tpu.enqueue_dma source(%dma_start3A_43 : memref<128xi32, #tpu.memory_space<hbm>>) target(%arg8 : memref<128xi32, #tpu.memory_space<vmem>>) target_semaphore(%run_scoped3A : memref<!tpu.dma_semaphore, #tpu.memory_space<semaphore_mem>>)
        %dma_wait3A_44 = tpu.memref_slice %arg5[%add3A_26] : memref<331776xi32, #tpu.memory_space<hbm>> -> memref<128xi32, #tpu.memory_space<hbm>>
        %dma_wait3A_45 = tpu.memref_slice %arg5[%add3A_26] : memref<331776xi32, #tpu.memory_space<hbm>> -> memref<128xi32, #tpu.memory_space<hbm>>
        tpu.wait_dma2 semaphore(%run_scoped3A : memref<!tpu.dma_semaphore, #tpu.memory_space<semaphore_mem>>) src(%dma_wait3A_45 : memref<128xi32, #tpu.memory_space<hbm>>) dst(%arg8 : memref<128xi32, #tpu.memory_space<vmem>>)
        tpu.yield
      }) : () -> ()
      "tpu.region"() ({
        %run_scoped3A = tpu.sem_alloc : memref<!tpu.dma_semaphore, #tpu.memory_space<semaphore_mem>>
        %dma_start3A_42 = tpu.memref_slice %arg6[%add3A_26] : memref<331776xi32, #tpu.memory_space<hbm>> -> memref<128xi32, #tpu.memory_space<hbm>>
        %dma_start3A_43 = tpu.memref_slice %arg6[%add3A_26] : memref<331776xi32, #tpu.memory_space<hbm>> -> memref<128xi32, #tpu.memory_space<hbm>>
        tpu.enqueue_dma source(%dma_start3A_43 : memref<128xi32, #tpu.memory_space<hbm>>) target(%arg9 : memref<128xi32, #tpu.memory_space<vmem>>) target_semaphore(%run_scoped3A : memref<!tpu.dma_semaphore, #tpu.memory_space<semaphore_mem>>)
        %dma_wait3A_44 = tpu.memref_slice %arg6[%add3A_26] : memref<331776xi32, #tpu.memory_space<hbm>> -> memref<128xi32, #tpu.memory_space<hbm>>
        %dma_wait3A_45 = tpu.memref_slice %arg6[%add3A_26] : memref<331776xi32, #tpu.memory_space<hbm>> -> memref<128xi32, #tpu.memory_space<hbm>>
        tpu.wait_dma2 semaphore(%run_scoped3A : memref<!tpu.dma_semaphore, #tpu.memory_space<semaphore_mem>>) src(%dma_wait3A_45 : memref<128xi32, #tpu.memory_space<hbm>>) dst(%arg9 : memref<128xi32, #tpu.memory_space<vmem>>)
        tpu.yield
      }) : () -> ()
      %dma_start3A = arith.constant 0 : i32
      %dma_start3A_27 = arith.constant 0 : i32
      %dma_start3A_28 = tpu.memref_slice %arg2[%dma_start3A, %dma_start3A_27] : memref<10112x32xf32, #tpu.memory_space<hbm>> -> memref<10112x32xf32, #tpu.memory_space<hbm>>
      tpu.enqueue_indirect_dma source(%dma_start3A_28 : memref<10112x32xf32, #tpu.memory_space<hbm>>) target(%arg10 : memref<128x32xf32, #tpu.memory_space<vmem>>) offsets(%arg8 : memref<128xi32, #tpu.memory_space<vmem>>) semaphore(%arg17 : memref<!tpu.dma_semaphore, #tpu.memory_space<semaphore_mem>>)
      %dma_start3A_29 = arith.constant 0 : i32
      %dma_start3A_30 = arith.constant 0 : i32
      %dma_start3A_31 = tpu.memref_slice %arg3[%dma_start3A_29, %dma_start3A_30] : memref<10112x16xf32, #tpu.memory_space<hbm>> -> memref<10112x16xf32, #tpu.memory_space<hbm>>
      tpu.enqueue_indirect_dma source(%dma_start3A_31 : memref<10112x16xf32, #tpu.memory_space<hbm>>) target(%arg11 : memref<128x16xf32, #tpu.memory_space<vmem>>) offsets(%arg9 : memref<128xi32, #tpu.memory_space<vmem>>) semaphore(%arg18 : memref<!tpu.dma_semaphore, #tpu.memory_space<semaphore_mem>>)
      "tpu.region"() ({
        %run_scoped3A = tpu.sem_alloc : memref<!tpu.dma_semaphore, #tpu.memory_space<semaphore_mem>>
        %dma_start3A_42 = arith.constant 0 : i32
        %dma_start3A_43 = tpu.memref_slice %arg4[%add3A_26, %dma_start3A_42] : memref<331776x16xf32, #tpu.memory_space<hbm>> -> memref<128x16xf32, #tpu.memory_space<hbm>>
        %dma_start3A_44 = arith.constant 0 : i32
        %dma_start3A_45 = tpu.memref_slice %arg4[%add3A_26, %dma_start3A_44] : memref<331776x16xf32, #tpu.memory_space<hbm>> -> memref<128x16xf32, #tpu.memory_space<hbm>>
        tpu.enqueue_dma source(%dma_start3A_45 : memref<128x16xf32, #tpu.memory_space<hbm>>) target(%arg12 : memref<128x16xf32, #tpu.memory_space<vmem>>) target_semaphore(%run_scoped3A : memref<!tpu.dma_semaphore, #tpu.memory_space<semaphore_mem>>)
        %dma_wait3A_46 = arith.constant 0 : i32
        %dma_wait3A_47 = tpu.memref_slice %arg4[%add3A_26, %dma_wait3A_46] : memref<331776x16xf32, #tpu.memory_space<hbm>> -> memref<128x16xf32, #tpu.memory_space<hbm>>
        %dma_wait3A_48 = arith.constant 0 : i32
        %dma_wait3A_49 = tpu.memref_slice %arg4[%add3A_26, %dma_wait3A_48] : memref<331776x16xf32, #tpu.memory_space<hbm>> -> memref<128x16xf32, #tpu.memory_space<hbm>>
        tpu.wait_dma2 semaphore(%run_scoped3A : memref<!tpu.dma_semaphore, #tpu.memory_space<semaphore_mem>>) src(%dma_wait3A_49 : memref<128x16xf32, #tpu.memory_space<hbm>>) dst(%arg12 : memref<128x16xf32, #tpu.memory_space<vmem>>)
        tpu.yield
      }) : () -> ()
      %dma_wait3A = arith.constant 0 : i32
      %dma_wait3A_32 = arith.constant 0 : i32
      %dma_wait3A_33 = tpu.memref_slice %arg2[%dma_wait3A, %dma_wait3A_32] : memref<10112x32xf32, #tpu.memory_space<hbm>> -> memref<10112x32xf32, #tpu.memory_space<hbm>>
      tpu.wait_indirect_dma semaphore(%arg17 : memref<!tpu.dma_semaphore, #tpu.memory_space<semaphore_mem>>) src(%dma_wait3A_33 : memref<10112x32xf32, #tpu.memory_space<hbm>>) dst(%arg10 : memref<128x32xf32, #tpu.memory_space<vmem>>)
      %dma_wait3A_34 = arith.constant 0 : i32
      %dma_wait3A_35 = arith.constant 0 : i32
      %dma_wait3A_36 = tpu.memref_slice %arg3[%dma_wait3A_34, %dma_wait3A_35] : memref<10112x16xf32, #tpu.memory_space<hbm>> -> memref<10112x16xf32, #tpu.memory_space<hbm>>
      tpu.wait_indirect_dma semaphore(%arg18 : memref<!tpu.dma_semaphore, #tpu.memory_space<semaphore_mem>>) src(%dma_wait3A_36 : memref<10112x16xf32, #tpu.memory_space<hbm>>) dst(%arg11 : memref<128x16xf32, #tpu.memory_space<vmem>>)
      %scan3A_37 = arith.constant 0 : i32
      %scan3A_38 = arith.constant 128 : i32
      %scan3A_39 = arith.addi %scan3A_37, %scan3A_38 : i32
      %scan3A_40 = arith.constant 1 : i32
      scf.for %scan3A_42 = %scan3A_37 to %scan3A_39 step %scan3A_40  : i32 {
        %mul3A_43 = arith.constant 1 : i32
        %mul3A_44 = arith.muli %scan3A_42, %mul3A_43 : i32
        %add3A_45 = arith.constant 0 : i32
        %add3A_46 = arith.addi %add3A_45, %mul3A_44 : i32
        %get3A = arith.index_cast %add3A_46 : i32 to index
        %get3A_47 = arith.constant 0 : index
        %get3A_48 = tpu.vector_load %arg12[%get3A, %get3A_47] {strides = array<i32>} : memref<128x16xf32, #tpu.memory_space<vmem>>, vector<16xf32>,
        %get3A_49 = arith.index_cast %add3A_46 : i32 to index
        %get3A_50 = arith.constant 0 : index
        %get3A_51 = tpu.vector_load %arg11[%get3A_49, %get3A_50] {strides = array<i32>} : memref<128x16xf32, #tpu.memory_space<vmem>>, vector<16xf32>,
        %div3A = arith.divf %get3A_48, %get3A_51 : vector<16xf32>
        %swap3A = arith.constant 0 : index
        %swap3A_52 = tpu.vector_load %arg14[%swap3A] {strides = array<i32>} : memref<16xf32, #tpu.memory_space<vmem>>, vector<16xf32>,
        tpu.vector_store %arg14[%swap3A], %div3A {strides = array<i32>} : memref<16xf32, #tpu.memory_space<vmem>>, vector<16xf32>,
        %shift_right_logical3A = arith.constant 3 : i32
        %shift_right_logical3A_53 = vector.broadcast %shift_right_logical3A : i32 to vector<16xi32>
        %shift_right_logical3A_54 = arith.shrui %iota3A, %shift_right_logical3A_53 : vector<16xi32>
        %add3A_55 = arith.constant 0 : i32
        %add3A_56 = vector.broadcast %add3A_55 : i32 to vector<16xi32>
        %add3A_57 = arith.addi %shift_right_logical3A_54, %add3A_56 : vector<16xi32>
        %gather3A = tpu.vector_load_idx %arg14[%add3A_57] : memref<16xf32, #tpu.memory_space<vmem>>[vector<16xi32>], vector<16xf32>,
        %get3A_58 = arith.index_cast %add3A_46 : i32 to index
        %get3A_59 = arith.constant 0 : index
        %get3A_60 = tpu.vector_load %arg10[%get3A_58, %get3A_59] {strides = array<i32>} : memref<128x32xf32, #tpu.memory_space<vmem>>, vector<16xf32>,
        %mul3A_61 = arith.mulf %get3A_60, %gather3A : vector<16xf32>
        %swap3A_62 = arith.index_cast %add3A_46 : i32 to index
        %swap3A_63 = arith.constant 0 : index
        %swap3A_64 = tpu.vector_load %arg13[%swap3A_62, %swap3A_63] {strides = array<i32>} : memref<128x32xf32, #tpu.memory_space<vmem>>, vector<16xf32>,
        tpu.vector_store %arg13[%swap3A_62, %swap3A_63], %mul3A_61 {strides = array<i32>} : memref<128x32xf32, #tpu.memory_space<vmem>>, vector<16xf32>,
        %shift_right_logical3A_65 = arith.constant 3 : i32
        %shift_right_logical3A_66 = vector.broadcast %shift_right_logical3A_65 : i32 to vector<16xi32>
        %shift_right_logical3A_67 = arith.shrui %iota3A, %shift_right_logical3A_66 : vector<16xi32>
        %add3A_68 = arith.constant 2 : i32
        %add3A_69 = vector.broadcast %add3A_68 : i32 to vector<16xi32>
        %add3A_70 = arith.addi %shift_right_logical3A_67, %add3A_69 : vector<16xi32>
        %gather3A_71 = tpu.vector_load_idx %arg14[%add3A_70] : memref<16xf32, #tpu.memory_space<vmem>>[vector<16xi32>], vector<16xf32>,
        %get3A_72 = arith.index_cast %add3A_46 : i32 to index
        %get3A_73 = arith.constant 16 : index
        %get3A_74 = tpu.vector_load %arg10[%get3A_72, %get3A_73] {strides = array<i32>} : memref<128x32xf32, #tpu.memory_space<vmem>>, vector<16xf32>,
        %mul3A_75 = arith.mulf %get3A_74, %gather3A_71 : vector<16xf32>
        %swap3A_76 = arith.index_cast %add3A_46 : i32 to index
        %swap3A_77 = arith.constant 16 : index
        %swap3A_78 = tpu.vector_load %arg13[%swap3A_76, %swap3A_77] {strides = array<i32>} : memref<128x32xf32, #tpu.memory_space<vmem>>, vector<16xf32>,
        tpu.vector_store %arg13[%swap3A_76, %swap3A_77], %mul3A_75 {strides = array<i32>} : memref<128x32xf32, #tpu.memory_space<vmem>>, vector<16xf32>,
      }
      %scan3A_41 = arith.constant 128 : i32
      "tpu.region"() ({
        %run_scoped3A = tpu.sem_alloc : memref<!tpu.dma_semaphore, #tpu.memory_space<semaphore_mem>>
        %dma_start3A_42 = arith.constant 0 : i32
        %dma_start3A_43 = arith.constant 0 : i32
        %dma_start3A_44 = tpu.memref_slice %arg16[%dma_start3A_42, %dma_start3A_43] : memref<10112x32xf32, #tpu.memory_space<vmem_shared>> -> memref<10112x32xf32, #tpu.memory_space<vmem_shared>>
        tpu.enqueue_indirect_dma source(%arg13 : memref<128x32xf32, #tpu.memory_space<vmem>>) target(%dma_start3A_44 : memref<10112x32xf32, #tpu.memory_space<vmem_shared>>) offsets(%arg9 : memref<128xi32, #tpu.memory_space<vmem>>) semaphore(%run_scoped3A : memref<!tpu.dma_semaphore, #tpu.memory_space<semaphore_mem>>) {add = true}
        %dma_wait3A_45 = arith.constant 0 : i32
        %dma_wait3A_46 = arith.constant 0 : i32
        %dma_wait3A_47 = tpu.memref_slice %arg16[%dma_wait3A_45, %dma_wait3A_46] : memref<10112x32xf32, #tpu.memory_space<vmem_shared>> -> memref<10112x32xf32, #tpu.memory_space<vmem_shared>>
        tpu.wait_indirect_dma semaphore(%run_scoped3A : memref<!tpu.dma_semaphore, #tpu.memory_space<semaphore_mem>>) src(%arg13 : memref<128x32xf32, #tpu.memory_space<vmem>>) dst(%dma_wait3A_47 : memref<10112x32xf32, #tpu.memory_space<vmem_shared>>)
        tpu.yield
      }) : () -> ()
    }
    %scan3A_13 = arith.constant 81 : i32
    %barrier3A_14 = arith.constant 0 : index
    tpu.barrier barrier_id(%barrier3A_14)
    %mul3A_15 = arith.constant 632 : i32
    %mul3A_16 = arith.muli %arg1, %mul3A_15 : i32
    "tpu.region"() ({
      %run_scoped3A = tpu.sem_alloc : memref<!tpu.dma_semaphore, #tpu.memory_space<semaphore_mem>>
      %dma_start3A = arith.constant 0 : i32
      %dma_start3A_19 = tpu.memref_slice %arg16[%mul3A_16, %dma_start3A] : memref<10112x32xf32, #tpu.memory_space<vmem_shared>> -> memref<632x32xf32, #tpu.memory_space<vmem_shared>>
      %dma_start3A_20 = arith.constant 0 : i32
      %dma_start3A_21 = tpu.memref_slice %arg16[%mul3A_16, %dma_start3A_20] : memref<10112x32xf32, #tpu.memory_space<vmem_shared>> -> memref<632x32xf32, #tpu.memory_space<vmem_shared>>
      tpu.enqueue_dma source(%dma_start3A_21 : memref<632x32xf32, #tpu.memory_space<vmem_shared>>) target(%arg15 : memref<632x32xf32, #tpu.memory_space<vmem>>) target_semaphore(%run_scoped3A : memref<!tpu.dma_semaphore, #tpu.memory_space<semaphore_mem>>)
      %dma_wait3A = arith.constant 0 : i32
      %dma_wait3A_22 = tpu.memref_slice %arg16[%mul3A_16, %dma_wait3A] : memref<10112x32xf32, #tpu.memory_space<vmem_shared>> -> memref<632x32xf32, #tpu.memory_space<vmem_shared>>
      %dma_wait3A_23 = arith.constant 0 : i32
      %dma_wait3A_24 = tpu.memref_slice %arg16[%mul3A_16, %dma_wait3A_23] : memref<10112x32xf32, #tpu.memory_space<vmem_shared>> -> memref<632x32xf32, #tpu.memory_space<vmem_shared>>
      tpu.wait_dma2 semaphore(%run_scoped3A : memref<!tpu.dma_semaphore, #tpu.memory_space<semaphore_mem>>) src(%dma_wait3A_24 : memref<632x32xf32, #tpu.memory_space<vmem_shared>>) dst(%arg15 : memref<632x32xf32, #tpu.memory_space<vmem>>)
      tpu.yield
    }) : () -> ()
    %mul3A_17 = arith.constant 632 : i32
    %mul3A_18 = arith.muli %arg1, %mul3A_17 : i32
    "tpu.region"() ({
      %run_scoped3A = tpu.sem_alloc : memref<!tpu.dma_semaphore, #tpu.memory_space<semaphore_mem>>
      %dma_start3A = arith.constant 0 : i32
      %dma_start3A_19 = arith.constant 0 : i32
      %dma_start3A_20 = tpu.memref_slice %arg7[%arg0, %dma_start3A, %dma_start3A_19] : memref<2x10112x32xf32, #tpu.memory_space<hbm>> -> memref<1x10112x32xf32, #tpu.memory_space<hbm>>
      %dma_start3A_21 = tpu.memref_squeeze %dma_start3A_20 : memref<1x10112x32xf32, #tpu.memory_space<hbm>> -> memref<10112x32xf32, #tpu.memory_space<hbm>>
      %dma_start3A_22 = arith.constant 0 : i32
      %dma_start3A_23 = tpu.memref_slice %dma_start3A_21[%mul3A_18, %dma_start3A_22] : memref<10112x32xf32, #tpu.memory_space<hbm>> -> memref<632x32xf32, #tpu.memory_space<hbm>>
      %dma_start3A_24 = arith.constant 0 : i32
      %dma_start3A_25 = arith.constant 0 : i32
      %dma_start3A_26 = tpu.memref_slice %arg7[%arg0, %dma_start3A_24, %dma_start3A_25] : memref<2x10112x32xf32, #tpu.memory_space<hbm>> -> memref<1x10112x32xf32, #tpu.memory_space<hbm>>
      %dma_start3A_27 = tpu.memref_squeeze %dma_start3A_26 : memref<1x10112x32xf32, #tpu.memory_space<hbm>> -> memref<10112x32xf32, #tpu.memory_space<hbm>>
      %dma_start3A_28 = arith.constant 0 : i32
      %dma_start3A_29 = tpu.memref_slice %dma_start3A_27[%mul3A_18, %dma_start3A_28] : memref<10112x32xf32, #tpu.memory_space<hbm>> -> memref<632x32xf32, #tpu.memory_space<hbm>>
      tpu.enqueue_dma source(%arg15 : memref<632x32xf32, #tpu.memory_space<vmem>>) target(%dma_start3A_29 : memref<632x32xf32, #tpu.memory_space<hbm>>) target_semaphore(%run_scoped3A : memref<!tpu.dma_semaphore, #tpu.memory_space<semaphore_mem>>)
      %dma_wait3A = arith.constant 0 : i32
      %dma_wait3A_30 = arith.constant 0 : i32
      %dma_wait3A_31 = tpu.memref_slice %arg7[%arg0, %dma_wait3A, %dma_wait3A_30] : memref<2x10112x32xf32, #tpu.memory_space<hbm>> -> memref<1x10112x32xf32, #tpu.memory_space<hbm>>
      %dma_wait3A_32 = tpu.memref_squeeze %dma_wait3A_31 : memref<1x10112x32xf32, #tpu.memory_space<hbm>> -> memref<10112x32xf32, #tpu.memory_space<hbm>>
      %dma_wait3A_33 = arith.constant 0 : i32
      %dma_wait3A_34 = tpu.memref_slice %dma_wait3A_32[%mul3A_18, %dma_wait3A_33] : memref<10112x32xf32, #tpu.memory_space<hbm>> -> memref<632x32xf32, #tpu.memory_space<hbm>>
      %dma_wait3A_35 = arith.constant 0 : i32
      %dma_wait3A_36 = arith.constant 0 : i32
      %dma_wait3A_37 = tpu.memref_slice %arg7[%arg0, %dma_wait3A_35, %dma_wait3A_36] : memref<2x10112x32xf32, #tpu.memory_space<hbm>> -> memref<1x10112x32xf32, #tpu.memory_space<hbm>>
      %dma_wait3A_38 = tpu.memref_squeeze %dma_wait3A_37 : memref<1x10112x32xf32, #tpu.memory_space<hbm>> -> memref<10112x32xf32, #tpu.memory_space<hbm>>
      %dma_wait3A_39 = arith.constant 0 : i32
      %dma_wait3A_40 = tpu.memref_slice %dma_wait3A_38[%mul3A_18, %dma_wait3A_39] : memref<10112x32xf32, #tpu.memory_space<hbm>> -> memref<632x32xf32, #tpu.memory_space<hbm>>
      tpu.wait_dma2 semaphore(%run_scoped3A : memref<!tpu.dma_semaphore, #tpu.memory_space<semaphore_mem>>) src(%arg15 : memref<632x32xf32, #tpu.memory_space<vmem>>) dst(%dma_wait3A_40 : memref<632x32xf32, #tpu.memory_space<hbm>>)
      tpu.yield
    }) : () -> ()
    return
  }
}

#map = affine_map<(d0, d1) -> (0, 0)>
#map1 = affine_map<(d0, d1) -> (0)>
#map2 = affine_map<(d0, d1) -> (0, 0, 0)>
module attributes {stable_mosaic.version = 14 : i64} {
  func.func @k(%arg0: i32, %arg1: i32, %arg2: memref<10112x16xf32, #tpu.memory_space<hbm>>, %arg3: memref<10112x16xf32, #tpu.memory_space<hbm>>, %arg4: memref<331776xi32, #tpu.memory_space<hbm>>, %arg5: memref<331776xi32, #tpu.memory_space<hbm>>, %arg6: memref<331776x16xf32, #tpu.memory_space<hbm>>, %arg7: memref<2x10112x16xf32, #tpu.memory_space<hbm>>, %arg8: memref<128xi32, #tpu.memory_space<vmem>>, %arg9: memref<128xi32, #tpu.memory_space<vmem>>, %arg10: memref<128x16xf32, #tpu.memory_space<vmem>>, %arg11: memref<128x16xf32, #tpu.memory_space<vmem>>, %arg12: memref<128x16xf32, #tpu.memory_space<vmem>>, %arg13: memref<632x16xf32, #tpu.memory_space<vmem>>, %arg14: memref<10112x16xf32, #tpu.memory_space<vmem_shared>>, %arg15: memref<!tpu.dma_semaphore, #tpu.memory_space<semaphore_mem>>, %arg16: memref<!tpu.dma_semaphore, #tpu.memory_space<semaphore_mem>>) attributes {dimension_semantics = [#tpu.dimension_semantics<core_parallel>, #tpu.dimension_semantics<subcore_parallel>], iteration_bounds = array<i64: 2, 16>, scalar_prefetch = 0 : i64, scratch_operands = 9 : i64, tpu.core_type = #tpu.core_type<sc_vector_subcore>, window_params = [{transform_indices = #map}, {transform_indices = #map}, {transform_indices = #map1}, {transform_indices = #map1}, {transform_indices = #map}, {transform_indices = #map2}]} {
    %mul3A = arith.constant 16 : i32
    %mul3A_0 = arith.muli %arg0, %mul3A : i32
    %add3A = arith.addi %mul3A_0, %arg1 : i32
    %iota3A = tpu.iota {dimensions = array<i32: 0>} : vector<16xi32>
    %lt3A = arith.constant 4 : i32
    %lt3A_1 = vector.broadcast %lt3A : i32 to vector<16xi32>
    %lt3A_2 = arith.cmpi slt, %iota3A, %lt3A_1 : vector<16xi32>
    %convert_element_type3A = arith.extui %lt3A_2 : vector<16xi1> to vector<16xi32>
    %convert_element_type3A_3 = arith.sitofp %convert_element_type3A : vector<16xi32> to vector<16xf32>
    %scan3A = arith.constant 0 : i32
    %scan3A_4 = arith.constant 632 : i32
    %scan3A_5 = arith.addi %scan3A, %scan3A_4 : i32
    %scan3A_6 = arith.constant 1 : i32
    scf.for %scan3A_22 = %scan3A to %scan3A_5 step %scan3A_6  : i32 {
      %mul3A_23 = arith.constant 1 : i32
      %mul3A_24 = arith.muli %scan3A_22, %mul3A_23 : i32
      %add3A_25 = arith.constant 0 : i32
      %add3A_26 = arith.addi %add3A_25, %mul3A_24 : i32
      %broadcast_in_dim3A = arith.constant 0.000000e+00 : f32
      %broadcast_in_dim3A_27 = vector.broadcast %broadcast_in_dim3A : f32 to vector<16xf32>
      %swap3A = arith.index_cast %add3A_26 : i32 to index
      %swap3A_28 = arith.constant 0 : index
      %swap3A_29 = tpu.vector_load %arg13[%swap3A, %swap3A_28] {strides = array<i32>} : memref<632x16xf32, #tpu.memory_space<vmem>>, vector<16xf32>,
      tpu.vector_store %arg13[%swap3A, %swap3A_28], %broadcast_in_dim3A_27 {strides = array<i32>} : memref<632x16xf32, #tpu.memory_space<vmem>>, vector<16xf32>,
    }
    %scan3A_7 = arith.constant 632 : i32
    %mul3A_8 = arith.constant 632 : i32
    %mul3A_9 = arith.muli %arg1, %mul3A_8 : i32
    "tpu.region"() ({
      %run_scoped3A = tpu.sem_alloc : memref<!tpu.dma_semaphore, #tpu.memory_space<semaphore_mem>>
      %dma_start3A = arith.constant 0 : i32
      %dma_start3A_22 = tpu.memref_slice %arg14[%mul3A_9, %dma_start3A] : memref<10112x16xf32, #tpu.memory_space<vmem_shared>> -> memref<632x16xf32, #tpu.memory_space<vmem_shared>>
      %dma_start3A_23 = arith.constant 0 : i32
      %dma_start3A_24 = tpu.memref_slice %arg14[%mul3A_9, %dma_start3A_23] : memref<10112x16xf32, #tpu.memory_space<vmem_shared>> -> memref<632x16xf32, #tpu.memory_space<vmem_shared>>
      tpu.enqueue_dma source(%arg13 : memref<632x16xf32, #tpu.memory_space<vmem>>) target(%dma_start3A_24 : memref<632x16xf32, #tpu.memory_space<vmem_shared>>) target_semaphore(%run_scoped3A : memref<!tpu.dma_semaphore, #tpu.memory_space<semaphore_mem>>)
      %dma_wait3A = arith.constant 0 : i32
      %dma_wait3A_25 = tpu.memref_slice %arg14[%mul3A_9, %dma_wait3A] : memref<10112x16xf32, #tpu.memory_space<vmem_shared>> -> memref<632x16xf32, #tpu.memory_space<vmem_shared>>
      %dma_wait3A_26 = arith.constant 0 : i32
      %dma_wait3A_27 = tpu.memref_slice %arg14[%mul3A_9, %dma_wait3A_26] : memref<10112x16xf32, #tpu.memory_space<vmem_shared>> -> memref<632x16xf32, #tpu.memory_space<vmem_shared>>
      tpu.wait_dma2 semaphore(%run_scoped3A : memref<!tpu.dma_semaphore, #tpu.memory_space<semaphore_mem>>) src(%arg13 : memref<632x16xf32, #tpu.memory_space<vmem>>) dst(%dma_wait3A_27 : memref<632x16xf32, #tpu.memory_space<vmem_shared>>)
      tpu.yield
    }) : () -> ()
    %barrier3A = arith.constant 0 : index
    tpu.barrier barrier_id(%barrier3A)
    %mul3A_10 = arith.constant 10368 : i32
    %mul3A_11 = arith.muli %add3A, %mul3A_10 : i32
    %scan3A_12 = arith.constant 0 : i32
    %scan3A_13 = arith.constant 81 : i32
    %scan3A_14 = arith.addi %scan3A_12, %scan3A_13 : i32
    %scan3A_15 = arith.constant 1 : i32
    scf.for %scan3A_22 = %scan3A_12 to %scan3A_14 step %scan3A_15  : i32 {
      %mul3A_23 = arith.constant 1 : i32
      %mul3A_24 = arith.muli %scan3A_22, %mul3A_23 : i32
      %add3A_25 = arith.constant 0 : i32
      %add3A_26 = arith.addi %add3A_25, %mul3A_24 : i32
      %mul3A_27 = arith.constant 128 : i32
      %mul3A_28 = arith.muli %add3A_26, %mul3A_27 : i32
      %add3A_29 = arith.addi %mul3A_11, %mul3A_28 : i32
      "tpu.region"() ({
        %run_scoped3A = tpu.sem_alloc : memref<!tpu.dma_semaphore, #tpu.memory_space<semaphore_mem>>
        %dma_start3A_45 = tpu.memref_slice %arg4[%add3A_29] : memref<331776xi32, #tpu.memory_space<hbm>> -> memref<128xi32, #tpu.memory_space<hbm>>
        %dma_start3A_46 = tpu.memref_slice %arg4[%add3A_29] : memref<331776xi32, #tpu.memory_space<hbm>> -> memref<128xi32, #tpu.memory_space<hbm>>
        tpu.enqueue_dma source(%dma_start3A_46 : memref<128xi32, #tpu.memory_space<hbm>>) target(%arg8 : memref<128xi32, #tpu.memory_space<vmem>>) target_semaphore(%run_scoped3A : memref<!tpu.dma_semaphore, #tpu.memory_space<semaphore_mem>>)
        %dma_wait3A_47 = tpu.memref_slice %arg4[%add3A_29] : memref<331776xi32, #tpu.memory_space<hbm>> -> memref<128xi32, #tpu.memory_space<hbm>>
        %dma_wait3A_48 = tpu.memref_slice %arg4[%add3A_29] : memref<331776xi32, #tpu.memory_space<hbm>> -> memref<128xi32, #tpu.memory_space<hbm>>
        tpu.wait_dma2 semaphore(%run_scoped3A : memref<!tpu.dma_semaphore, #tpu.memory_space<semaphore_mem>>) src(%dma_wait3A_48 : memref<128xi32, #tpu.memory_space<hbm>>) dst(%arg8 : memref<128xi32, #tpu.memory_space<vmem>>)
        tpu.yield
      }) : () -> ()
      "tpu.region"() ({
        %run_scoped3A = tpu.sem_alloc : memref<!tpu.dma_semaphore, #tpu.memory_space<semaphore_mem>>
        %dma_start3A_45 = tpu.memref_slice %arg5[%add3A_29] : memref<331776xi32, #tpu.memory_space<hbm>> -> memref<128xi32, #tpu.memory_space<hbm>>
        %dma_start3A_46 = tpu.memref_slice %arg5[%add3A_29] : memref<331776xi32, #tpu.memory_space<hbm>> -> memref<128xi32, #tpu.memory_space<hbm>>
        tpu.enqueue_dma source(%dma_start3A_46 : memref<128xi32, #tpu.memory_space<hbm>>) target(%arg9 : memref<128xi32, #tpu.memory_space<vmem>>) target_semaphore(%run_scoped3A : memref<!tpu.dma_semaphore, #tpu.memory_space<semaphore_mem>>)
        %dma_wait3A_47 = tpu.memref_slice %arg5[%add3A_29] : memref<331776xi32, #tpu.memory_space<hbm>> -> memref<128xi32, #tpu.memory_space<hbm>>
        %dma_wait3A_48 = tpu.memref_slice %arg5[%add3A_29] : memref<331776xi32, #tpu.memory_space<hbm>> -> memref<128xi32, #tpu.memory_space<hbm>>
        tpu.wait_dma2 semaphore(%run_scoped3A : memref<!tpu.dma_semaphore, #tpu.memory_space<semaphore_mem>>) src(%dma_wait3A_48 : memref<128xi32, #tpu.memory_space<hbm>>) dst(%arg9 : memref<128xi32, #tpu.memory_space<vmem>>)
        tpu.yield
      }) : () -> ()
      %dma_start3A = arith.constant 0 : i32
      %dma_start3A_30 = arith.constant 0 : i32
      %dma_start3A_31 = tpu.memref_slice %arg2[%dma_start3A, %dma_start3A_30] : memref<10112x16xf32, #tpu.memory_space<hbm>> -> memref<10112x16xf32, #tpu.memory_space<hbm>>
      tpu.enqueue_indirect_dma source(%dma_start3A_31 : memref<10112x16xf32, #tpu.memory_space<hbm>>) target(%arg10 : memref<128x16xf32, #tpu.memory_space<vmem>>) offsets(%arg8 : memref<128xi32, #tpu.memory_space<vmem>>) semaphore(%arg15 : memref<!tpu.dma_semaphore, #tpu.memory_space<semaphore_mem>>)
      %dma_start3A_32 = arith.constant 0 : i32
      %dma_start3A_33 = arith.constant 0 : i32
      %dma_start3A_34 = tpu.memref_slice %arg3[%dma_start3A_32, %dma_start3A_33] : memref<10112x16xf32, #tpu.memory_space<hbm>> -> memref<10112x16xf32, #tpu.memory_space<hbm>>
      tpu.enqueue_indirect_dma source(%dma_start3A_34 : memref<10112x16xf32, #tpu.memory_space<hbm>>) target(%arg11 : memref<128x16xf32, #tpu.memory_space<vmem>>) offsets(%arg9 : memref<128xi32, #tpu.memory_space<vmem>>) semaphore(%arg16 : memref<!tpu.dma_semaphore, #tpu.memory_space<semaphore_mem>>)
      %dma_wait3A = arith.constant 0 : i32
      %dma_wait3A_35 = arith.constant 0 : i32
      %dma_wait3A_36 = tpu.memref_slice %arg2[%dma_wait3A, %dma_wait3A_35] : memref<10112x16xf32, #tpu.memory_space<hbm>> -> memref<10112x16xf32, #tpu.memory_space<hbm>>
      tpu.wait_indirect_dma semaphore(%arg15 : memref<!tpu.dma_semaphore, #tpu.memory_space<semaphore_mem>>) src(%dma_wait3A_36 : memref<10112x16xf32, #tpu.memory_space<hbm>>) dst(%arg10 : memref<128x16xf32, #tpu.memory_space<vmem>>)
      %dma_wait3A_37 = arith.constant 0 : i32
      %dma_wait3A_38 = arith.constant 0 : i32
      %dma_wait3A_39 = tpu.memref_slice %arg3[%dma_wait3A_37, %dma_wait3A_38] : memref<10112x16xf32, #tpu.memory_space<hbm>> -> memref<10112x16xf32, #tpu.memory_space<hbm>>
      tpu.wait_indirect_dma semaphore(%arg16 : memref<!tpu.dma_semaphore, #tpu.memory_space<semaphore_mem>>) src(%dma_wait3A_39 : memref<10112x16xf32, #tpu.memory_space<hbm>>) dst(%arg11 : memref<128x16xf32, #tpu.memory_space<vmem>>)
      %scan3A_40 = arith.constant 0 : i32
      %scan3A_41 = arith.constant 128 : i32
      %scan3A_42 = arith.addi %scan3A_40, %scan3A_41 : i32
      %scan3A_43 = arith.constant 1 : i32
      scf.for %scan3A_45 = %scan3A_40 to %scan3A_42 step %scan3A_43  : i32 {
        %mul3A_46 = arith.constant 1 : i32
        %mul3A_47 = arith.muli %scan3A_45, %mul3A_46 : i32
        %add3A_48 = arith.constant 0 : i32
        %add3A_49 = arith.addi %add3A_48, %mul3A_47 : i32
        %get3A = arith.index_cast %add3A_49 : i32 to index
        %get3A_50 = arith.constant 0 : index
        %get3A_51 = tpu.vector_load %arg10[%get3A, %get3A_50] {strides = array<i32>} : memref<128x16xf32, #tpu.memory_space<vmem>>, vector<16xf32>,
        %get3A_52 = arith.index_cast %add3A_49 : i32 to index
        %get3A_53 = arith.constant 0 : index
        %get3A_54 = tpu.vector_load %arg11[%get3A_52, %get3A_53] {strides = array<i32>} : memref<128x16xf32, #tpu.memory_space<vmem>>, vector<16xf32>,
        %add3A_55 = arith.addf %get3A_51, %get3A_54 : vector<16xf32>
        %mul3A_56 = arith.constant 2.000000e-01 : f32
        %mul3A_57 = vector.broadcast %mul3A_56 : f32 to vector<16xf32>
        %mul3A_58 = arith.mulf %mul3A_57, %add3A_55 : vector<16xf32>
        %max3A = arith.maximumf %add3A_55, %mul3A_58 : vector<16xf32>
        %broadcast_in_dim3A = vector.broadcast %add3A_49 : i32 to vector<16xi32>
        %add3A_59 = arith.constant 4 : i32
        %add3A_60 = vector.broadcast %add3A_59 : i32 to vector<16xi32>
        %add3A_61 = arith.addi %iota3A, %add3A_60 : vector<16xi32>
        %and3A = arith.constant 15 : i32
        %and3A_62 = vector.broadcast %and3A : i32 to vector<16xi32>
        %and3A_63 = arith.andi %add3A_61, %and3A_62 : vector<16xi32>
        %gather3A = tpu.vector_load_idx %arg11[%broadcast_in_dim3A, %and3A_63] : memref<128x16xf32, #tpu.memory_space<vmem>>[vector<16xi32>, vector<16xi32>], vector<16xf32>,
        %sub3A = arith.subf %max3A, %gather3A : vector<16xf32>
        %exp3A = math.exp %sub3A : vector<16xf32>
        %mul3A_64 = arith.mulf %exp3A, %convert_element_type3A_3 : vector<16xf32>
        %swap3A = arith.index_cast %add3A_49 : i32 to index
        %swap3A_65 = arith.constant 0 : index
        %swap3A_66 = tpu.vector_load %arg12[%swap3A, %swap3A_65] {strides = array<i32>} : memref<128x16xf32, #tpu.memory_space<vmem>>, vector<16xf32>,
        tpu.vector_store %arg12[%swap3A, %swap3A_65], %mul3A_64 {strides = array<i32>} : memref<128x16xf32, #tpu.memory_space<vmem>>, vector<16xf32>,
      }
      %scan3A_44 = arith.constant 128 : i32
      "tpu.region"() ({
        %run_scoped3A = tpu.sem_alloc : memref<!tpu.dma_semaphore, #tpu.memory_space<semaphore_mem>>
        %dma_start3A_45 = arith.constant 0 : i32
        %dma_start3A_46 = tpu.memref_slice %arg6[%add3A_29, %dma_start3A_45] : memref<331776x16xf32, #tpu.memory_space<hbm>> -> memref<128x16xf32, #tpu.memory_space<hbm>>
        %dma_start3A_47 = arith.constant 0 : i32
        %dma_start3A_48 = tpu.memref_slice %arg6[%add3A_29, %dma_start3A_47] : memref<331776x16xf32, #tpu.memory_space<hbm>> -> memref<128x16xf32, #tpu.memory_space<hbm>>
        tpu.enqueue_dma source(%arg12 : memref<128x16xf32, #tpu.memory_space<vmem>>) target(%dma_start3A_48 : memref<128x16xf32, #tpu.memory_space<hbm>>) target_semaphore(%run_scoped3A : memref<!tpu.dma_semaphore, #tpu.memory_space<semaphore_mem>>)
        %dma_wait3A_49 = arith.constant 0 : i32
        %dma_wait3A_50 = tpu.memref_slice %arg6[%add3A_29, %dma_wait3A_49] : memref<331776x16xf32, #tpu.memory_space<hbm>> -> memref<128x16xf32, #tpu.memory_space<hbm>>
        %dma_wait3A_51 = arith.constant 0 : i32
        %dma_wait3A_52 = tpu.memref_slice %arg6[%add3A_29, %dma_wait3A_51] : memref<331776x16xf32, #tpu.memory_space<hbm>> -> memref<128x16xf32, #tpu.memory_space<hbm>>
        tpu.wait_dma2 semaphore(%run_scoped3A : memref<!tpu.dma_semaphore, #tpu.memory_space<semaphore_mem>>) src(%arg12 : memref<128x16xf32, #tpu.memory_space<vmem>>) dst(%dma_wait3A_52 : memref<128x16xf32, #tpu.memory_space<hbm>>)
        tpu.yield
      }) : () -> ()
      "tpu.region"() ({
        %run_scoped3A = tpu.sem_alloc : memref<!tpu.dma_semaphore, #tpu.memory_space<semaphore_mem>>
        %dma_start3A_45 = arith.constant 0 : i32
        %dma_start3A_46 = arith.constant 0 : i32
        %dma_start3A_47 = tpu.memref_slice %arg14[%dma_start3A_45, %dma_start3A_46] : memref<10112x16xf32, #tpu.memory_space<vmem_shared>> -> memref<10112x16xf32, #tpu.memory_space<vmem_shared>>
        tpu.enqueue_indirect_dma source(%arg12 : memref<128x16xf32, #tpu.memory_space<vmem>>) target(%dma_start3A_47 : memref<10112x16xf32, #tpu.memory_space<vmem_shared>>) offsets(%arg9 : memref<128xi32, #tpu.memory_space<vmem>>) semaphore(%run_scoped3A : memref<!tpu.dma_semaphore, #tpu.memory_space<semaphore_mem>>) {add = true}
        %dma_wait3A_48 = arith.constant 0 : i32
        %dma_wait3A_49 = arith.constant 0 : i32
        %dma_wait3A_50 = tpu.memref_slice %arg14[%dma_wait3A_48, %dma_wait3A_49] : memref<10112x16xf32, #tpu.memory_space<vmem_shared>> -> memref<10112x16xf32, #tpu.memory_space<vmem_shared>>
        tpu.wait_indirect_dma semaphore(%run_scoped3A : memref<!tpu.dma_semaphore, #tpu.memory_space<semaphore_mem>>) src(%arg12 : memref<128x16xf32, #tpu.memory_space<vmem>>) dst(%dma_wait3A_50 : memref<10112x16xf32, #tpu.memory_space<vmem_shared>>)
        tpu.yield
      }) : () -> ()
    }
    %scan3A_16 = arith.constant 81 : i32
    %barrier3A_17 = arith.constant 0 : index
    tpu.barrier barrier_id(%barrier3A_17)
    %mul3A_18 = arith.constant 632 : i32
    %mul3A_19 = arith.muli %arg1, %mul3A_18 : i32
    "tpu.region"() ({
      %run_scoped3A = tpu.sem_alloc : memref<!tpu.dma_semaphore, #tpu.memory_space<semaphore_mem>>
      %dma_start3A = arith.constant 0 : i32
      %dma_start3A_22 = tpu.memref_slice %arg14[%mul3A_19, %dma_start3A] : memref<10112x16xf32, #tpu.memory_space<vmem_shared>> -> memref<632x16xf32, #tpu.memory_space<vmem_shared>>
      %dma_start3A_23 = arith.constant 0 : i32
      %dma_start3A_24 = tpu.memref_slice %arg14[%mul3A_19, %dma_start3A_23] : memref<10112x16xf32, #tpu.memory_space<vmem_shared>> -> memref<632x16xf32, #tpu.memory_space<vmem_shared>>
      tpu.enqueue_dma source(%dma_start3A_24 : memref<632x16xf32, #tpu.memory_space<vmem_shared>>) target(%arg13 : memref<632x16xf32, #tpu.memory_space<vmem>>) target_semaphore(%run_scoped3A : memref<!tpu.dma_semaphore, #tpu.memory_space<semaphore_mem>>)
      %dma_wait3A = arith.constant 0 : i32
      %dma_wait3A_25 = tpu.memref_slice %arg14[%mul3A_19, %dma_wait3A] : memref<10112x16xf32, #tpu.memory_space<vmem_shared>> -> memref<632x16xf32, #tpu.memory_space<vmem_shared>>
      %dma_wait3A_26 = arith.constant 0 : i32
      %dma_wait3A_27 = tpu.memref_slice %arg14[%mul3A_19, %dma_wait3A_26] : memref<10112x16xf32, #tpu.memory_space<vmem_shared>> -> memref<632x16xf32, #tpu.memory_space<vmem_shared>>
      tpu.wait_dma2 semaphore(%run_scoped3A : memref<!tpu.dma_semaphore, #tpu.memory_space<semaphore_mem>>) src(%dma_wait3A_27 : memref<632x16xf32, #tpu.memory_space<vmem_shared>>) dst(%arg13 : memref<632x16xf32, #tpu.memory_space<vmem>>)
      tpu.yield
    }) : () -> ()
    %mul3A_20 = arith.constant 632 : i32
    %mul3A_21 = arith.muli %arg1, %mul3A_20 : i32
    "tpu.region"() ({
      %run_scoped3A = tpu.sem_alloc : memref<!tpu.dma_semaphore, #tpu.memory_space<semaphore_mem>>
      %dma_start3A = arith.constant 0 : i32
      %dma_start3A_22 = arith.constant 0 : i32
      %dma_start3A_23 = tpu.memref_slice %arg7[%arg0, %dma_start3A, %dma_start3A_22] : memref<2x10112x16xf32, #tpu.memory_space<hbm>> -> memref<1x10112x16xf32, #tpu.memory_space<hbm>>
      %dma_start3A_24 = tpu.memref_squeeze %dma_start3A_23 : memref<1x10112x16xf32, #tpu.memory_space<hbm>> -> memref<10112x16xf32, #tpu.memory_space<hbm>>
      %dma_start3A_25 = arith.constant 0 : i32
      %dma_start3A_26 = tpu.memref_slice %dma_start3A_24[%mul3A_21, %dma_start3A_25] : memref<10112x16xf32, #tpu.memory_space<hbm>> -> memref<632x16xf32, #tpu.memory_space<hbm>>
      %dma_start3A_27 = arith.constant 0 : i32
      %dma_start3A_28 = arith.constant 0 : i32
      %dma_start3A_29 = tpu.memref_slice %arg7[%arg0, %dma_start3A_27, %dma_start3A_28] : memref<2x10112x16xf32, #tpu.memory_space<hbm>> -> memref<1x10112x16xf32, #tpu.memory_space<hbm>>
      %dma_start3A_30 = tpu.memref_squeeze %dma_start3A_29 : memref<1x10112x16xf32, #tpu.memory_space<hbm>> -> memref<10112x16xf32, #tpu.memory_space<hbm>>
      %dma_start3A_31 = arith.constant 0 : i32
      %dma_start3A_32 = tpu.memref_slice %dma_start3A_30[%mul3A_21, %dma_start3A_31] : memref<10112x16xf32, #tpu.memory_space<hbm>> -> memref<632x16xf32, #tpu.memory_space<hbm>>
      tpu.enqueue_dma source(%arg13 : memref<632x16xf32, #tpu.memory_space<vmem>>) target(%dma_start3A_32 : memref<632x16xf32, #tpu.memory_space<hbm>>) target_semaphore(%run_scoped3A : memref<!tpu.dma_semaphore, #tpu.memory_space<semaphore_mem>>)
      %dma_wait3A = arith.constant 0 : i32
      %dma_wait3A_33 = arith.constant 0 : i32
      %dma_wait3A_34 = tpu.memref_slice %arg7[%arg0, %dma_wait3A, %dma_wait3A_33] : memref<2x10112x16xf32, #tpu.memory_space<hbm>> -> memref<1x10112x16xf32, #tpu.memory_space<hbm>>
      %dma_wait3A_35 = tpu.memref_squeeze %dma_wait3A_34 : memref<1x10112x16xf32, #tpu.memory_space<hbm>> -> memref<10112x16xf32, #tpu.memory_space<hbm>>
      %dma_wait3A_36 = arith.constant 0 : i32
      %dma_wait3A_37 = tpu.memref_slice %dma_wait3A_35[%mul3A_21, %dma_wait3A_36] : memref<10112x16xf32, #tpu.memory_space<hbm>> -> memref<632x16xf32, #tpu.memory_space<hbm>>
      %dma_wait3A_38 = arith.constant 0 : i32
      %dma_wait3A_39 = arith.constant 0 : i32
      %dma_wait3A_40 = tpu.memref_slice %arg7[%arg0, %dma_wait3A_38, %dma_wait3A_39] : memref<2x10112x16xf32, #tpu.memory_space<hbm>> -> memref<1x10112x16xf32, #tpu.memory_space<hbm>>
      %dma_wait3A_41 = tpu.memref_squeeze %dma_wait3A_40 : memref<1x10112x16xf32, #tpu.memory_space<hbm>> -> memref<10112x16xf32, #tpu.memory_space<hbm>>
      %dma_wait3A_42 = arith.constant 0 : i32
      %dma_wait3A_43 = tpu.memref_slice %dma_wait3A_41[%mul3A_21, %dma_wait3A_42] : memref<10112x16xf32, #tpu.memory_space<hbm>> -> memref<632x16xf32, #tpu.memory_space<hbm>>
      tpu.wait_dma2 semaphore(%run_scoped3A : memref<!tpu.dma_semaphore, #tpu.memory_space<semaphore_mem>>) src(%arg13 : memref<632x16xf32, #tpu.memory_space<vmem>>) dst(%dma_wait3A_43 : memref<632x16xf32, #tpu.memory_space<hbm>>)
      tpu.yield
    }) : () -> ()
    return
  }
}

module attributes {stable_mosaic.version = 14 : i64} {
  func.func @_prep_body(%arg0: memref<10112x128xf32, #tpu.memory_space<vmem>>, %arg1: memref<128x64xf32, #tpu.memory_space<vmem>>, %arg2: memref<64x16xf32, #tpu.memory_space<vmem>>, %arg3: memref<10112x64xf32, #tpu.memory_space<vmem>>, %arg4: memref<10112x16xf32, #tpu.memory_space<vmem>>, %arg5: memref<10112x16xf32, #tpu.memory_space<vmem>>) attributes {dimension_semantics = [], scalar_prefetch = 0 : i64, scratch_operands = 0 : i64, tpu.core_type = #tpu.core_type<tc>} {
    %get3A = arith.constant 0 : index
    %get3A_0 = arith.constant 0 : index
    %get3A_1 = vector.load %arg0[%get3A, %get3A_0] : memref<10112x128xf32, #tpu.memory_space<vmem>>, vector<10112x128xf32>
    %get3A_2 = arith.constant 0 : index
    %get3A_3 = arith.constant 0 : index
    %get3A_4 = vector.load %arg1[%get3A_2, %get3A_3] : memref<128x64xf32, #tpu.memory_space<vmem>>, vector<128x64xf32>
    %dot_general3A = arith.constant dense<0.000000e+00> : vector<10112x64xf32>
    %dot_general3A_5 = tpu.matmul %get3A_1, %get3A_4, %dot_general3A {dimension_numbers = #tpu.dot_dimension_numbers<[1], [0], [0], [1], [0, 0, 1, 1], [], []>, precision = #tpu.contract_precision<fp32>, transpose_lhs_hint = false} : vector<10112x128xf32>, vector<128x64xf32>, vector<10112x64xf32> -> vector<10112x64xf32>
    %swap3A = arith.constant 0 : index
    %swap3A_6 = arith.constant 0 : index
    %swap3A_7 = vector.load %arg3[%swap3A, %swap3A_6] : memref<10112x64xf32, #tpu.memory_space<vmem>>, vector<10112x64xf32>
    tpu.vector_store %arg3[%swap3A, %swap3A_6], %dot_general3A_5 {strides = array<i32>} : memref<10112x64xf32, #tpu.memory_space<vmem>>, vector<10112x64xf32>,
    %get3A_8 = arith.constant 0 : index
    %get3A_9 = arith.constant 0 : index
    %get3A_10 = vector.load %arg2[%get3A_8, %get3A_9] : memref<64x16xf32, #tpu.memory_space<vmem>>, vector<64x16xf32>
    %dot_general3A_11 = arith.constant dense<0.000000e+00> : vector<10112x16xf32>
    %dot_general3A_12 = tpu.matmul %dot_general3A_5, %get3A_10, %dot_general3A_11 {dimension_numbers = #tpu.dot_dimension_numbers<[1], [0], [0], [1], [0, 0, 1, 1], [], []>, precision = #tpu.contract_precision<fp32>, transpose_lhs_hint = false} : vector<10112x64xf32>, vector<64x16xf32>, vector<10112x16xf32> -> vector<10112x16xf32>
    %swap3A_13 = arith.constant 0 : index
    %swap3A_14 = arith.constant 0 : index
    %swap3A_15 = vector.load %arg4[%swap3A_13, %swap3A_14] : memref<10112x16xf32, #tpu.memory_space<vmem>>, vector<10112x16xf32>
    tpu.vector_store %arg4[%swap3A_13, %swap3A_14], %dot_general3A_12 {strides = array<i32>} : memref<10112x16xf32, #tpu.memory_space<vmem>>, vector<10112x16xf32>,
    %slice3A = vector.extract_strided_slice %dot_general3A_12 {offsets = [0, 0], sizes = [10112, 8], strides = [1, 1]} : vector<10112x16xf32> to vector<10112x8xf32>
    %slice3A_16 = vector.extract_strided_slice %dot_general3A_12 {offsets = [0, 8], sizes = [10112, 8], strides = [1, 1]} : vector<10112x16xf32> to vector<10112x8xf32>
    %reduce_max3A = arith.constant dense<0xFF800000> : vector<8xf32>
    %reduce_max3A_17 = vector.multi_reduction <maximumf>, %slice3A, %reduce_max3A [0] : vector<10112x8xf32> to vector<8xf32>
    %broadcast_in_dim3A = vector.shape_cast %reduce_max3A_17 : vector<8xf32> to vector<1x8xf32>
    %add3A = vector.broadcast %broadcast_in_dim3A : vector<1x8xf32> to vector<10112x8xf32>
    %add3A_18 = arith.addf %slice3A_16, %add3A : vector<10112x8xf32>
    %mul3A = arith.constant 2.000000e-01 : f32
    %mul3A_19 = vector.broadcast %mul3A : f32 to vector<10112x8xf32>
    %mul3A_20 = arith.mulf %mul3A_19, %add3A_18 : vector<10112x8xf32>
    %max3A = arith.maximumf %add3A_18, %mul3A_20 : vector<10112x8xf32>
    %concatenate3A = tpu.concatenate %slice3A_16, %max3A in 1 : vector<10112x8xf32>, vector<10112x8xf32> -> vector<10112x16xf32>
    %swap3A_21 = arith.constant 0 : index
    %swap3A_22 = arith.constant 0 : index
    %swap3A_23 = vector.load %arg5[%swap3A_21, %swap3A_22] : memref<10112x16xf32, #tpu.memory_space<vmem>>, vector<10112x16xf32>
    tpu.vector_store %arg5[%swap3A_21, %swap3A_22], %concatenate3A {strides = array<i32>} : memref<10112x16xf32, #tpu.memory_space<vmem>>, vector<10112x16xf32>,
    return
  }
}

module attributes {stable_mosaic.version = 14 : i64} {
  func.func @_dcomb_body(%arg0: memref<2x10112x16xf32, #tpu.memory_space<vmem>>, %arg1: memref<10112x16xf32, #tpu.memory_space<vmem>>) attributes {dimension_semantics = [], scalar_prefetch = 0 : i64, scratch_operands = 0 : i64, tpu.core_type = #tpu.core_type<tc>} {
    %get3A = arith.constant 0 : index
    %get3A_0 = arith.constant 0 : index
    %get3A_1 = arith.constant 0 : index
    %get3A_2 = vector.load %arg0[%get3A, %get3A_0, %get3A_1] : memref<2x10112x16xf32, #tpu.memory_space<vmem>>, vector<1x10112x16xf32>
    %get3A_3 = vector.shape_cast %get3A_2 : vector<1x10112x16xf32> to vector<10112x16xf32>
    %get3A_4 = arith.constant 1 : index
    %get3A_5 = arith.constant 0 : index
    %get3A_6 = arith.constant 0 : index
    %get3A_7 = vector.load %arg0[%get3A_4, %get3A_5, %get3A_6] : memref<2x10112x16xf32, #tpu.memory_space<vmem>>, vector<1x10112x16xf32>
    %get3A_8 = vector.shape_cast %get3A_7 : vector<1x10112x16xf32> to vector<10112x16xf32>
    %add3A = arith.addf %get3A_3, %get3A_8 : vector<10112x16xf32>
    %add3A_9 = arith.constant 1.000000e-16 : f32
    %add3A_10 = vector.broadcast %add3A_9 : f32 to vector<10112x16xf32>
    %add3A_11 = arith.addf %add3A, %add3A_10 : vector<10112x16xf32>
    %swap3A = arith.constant 0 : index
    %swap3A_12 = arith.constant 0 : index
    %swap3A_13 = vector.load %arg1[%swap3A, %swap3A_12] : memref<10112x16xf32, #tpu.memory_space<vmem>>, vector<10112x16xf32>
    tpu.vector_store %arg1[%swap3A, %swap3A_12], %add3A_11 {strides = array<i32>} : memref<10112x16xf32, #tpu.memory_space<vmem>>, vector<10112x16xf32>,
    return
  }
}

module attributes {stable_mosaic.version = 14 : i64} {
  func.func @_mid_body(%arg0: memref<2x10112x64xf32, #tpu.memory_space<vmem>>, %arg1: memref<1x64xf32, #tpu.memory_space<vmem>>, %arg2: memref<64x32xf32, #tpu.memory_space<vmem>>, %arg3: memref<32x16xf32, #tpu.memory_space<vmem>>, %arg4: memref<10112x32xf32, #tpu.memory_space<vmem>>, %arg5: memref<10112x16xf32, #tpu.memory_space<vmem>>, %arg6: memref<10112x16xf32, #tpu.memory_space<vmem>>) attributes {dimension_semantics = [], scalar_prefetch = 0 : i64, scratch_operands = 0 : i64, tpu.core_type = #tpu.core_type<tc>} {
    %get3A = arith.constant 0 : index
    %get3A_0 = arith.constant 0 : index
    %get3A_1 = arith.constant 0 : index
    %get3A_2 = vector.load %arg0[%get3A, %get3A_0, %get3A_1] : memref<2x10112x64xf32, #tpu.memory_space<vmem>>, vector<1x10112x64xf32>
    %get3A_3 = vector.shape_cast %get3A_2 : vector<1x10112x64xf32> to vector<10112x64xf32>
    %get3A_4 = arith.constant 1 : index
    %get3A_5 = arith.constant 0 : index
    %get3A_6 = arith.constant 0 : index
    %get3A_7 = vector.load %arg0[%get3A_4, %get3A_5, %get3A_6] : memref<2x10112x64xf32, #tpu.memory_space<vmem>>, vector<1x10112x64xf32>
    %get3A_8 = vector.shape_cast %get3A_7 : vector<1x10112x64xf32> to vector<10112x64xf32>
    %add3A = arith.addf %get3A_3, %get3A_8 : vector<10112x64xf32>
    %get3A_9 = arith.constant 0 : index
    %get3A_10 = arith.constant 0 : index
    %get3A_11 = vector.load %arg1[%get3A_9, %get3A_10] : memref<1x64xf32, #tpu.memory_space<vmem>>, vector<1x64xf32>
    %add3A_12 = vector.broadcast %get3A_11 : vector<1x64xf32> to vector<10112x64xf32>
    %add3A_13 = arith.addf %add3A, %add3A_12 : vector<10112x64xf32>
    %gt3A = arith.constant 0.000000e+00 : f32
    %gt3A_14 = vector.broadcast %gt3A : f32 to vector<10112x64xf32>
    %gt3A_15 = arith.cmpf ogt, %add3A_13, %gt3A_14 : vector<10112x64xf32>
    %min3A = arith.constant 0.000000e+00 : f32
    %min3A_16 = vector.broadcast %min3A : f32 to vector<10112x64xf32>
    %min3A_17 = arith.minimumf %add3A_13, %min3A_16 : vector<10112x64xf32>
    %exp3A = math.exp %min3A_17 : vector<10112x64xf32>
    %sub3A = arith.constant 1.000000e+00 : f32
    %sub3A_18 = vector.broadcast %sub3A : f32 to vector<10112x64xf32>
    %sub3A_19 = arith.subf %exp3A, %sub3A_18 : vector<10112x64xf32>
    %select_n3A = arith.select %gt3A_15, %add3A_13, %sub3A_19 : vector<10112x64xi1>, vector<10112x64xf32>
    %get3A_20 = arith.constant 0 : index
    %get3A_21 = arith.constant 0 : index
    %get3A_22 = vector.load %arg2[%get3A_20, %get3A_21] : memref<64x32xf32, #tpu.memory_space<vmem>>, vector<64x32xf32>
    %dot_general3A = arith.constant dense<0.000000e+00> : vector<10112x32xf32>
    %dot_general3A_23 = tpu.matmul %select_n3A, %get3A_22, %dot_general3A {dimension_numbers = #tpu.dot_dimension_numbers<[1], [0], [0], [1], [0, 0, 1, 1], [], []>, precision = #tpu.contract_precision<fp32>, transpose_lhs_hint = false} : vector<10112x64xf32>, vector<64x32xf32>, vector<10112x32xf32> -> vector<10112x32xf32>
    %swap3A = arith.constant 0 : index
    %swap3A_24 = arith.constant 0 : index
    %swap3A_25 = vector.load %arg4[%swap3A, %swap3A_24] : memref<10112x32xf32, #tpu.memory_space<vmem>>, vector<10112x32xf32>
    tpu.vector_store %arg4[%swap3A, %swap3A_24], %dot_general3A_23 {strides = array<i32>} : memref<10112x32xf32, #tpu.memory_space<vmem>>, vector<10112x32xf32>,
    %get3A_26 = arith.constant 0 : index
    %get3A_27 = arith.constant 0 : index
    %get3A_28 = vector.load %arg3[%get3A_26, %get3A_27] : memref<32x16xf32, #tpu.memory_space<vmem>>, vector<32x16xf32>
    %dot_general3A_29 = arith.constant dense<0.000000e+00> : vector<10112x16xf32>
    %dot_general3A_30 = tpu.matmul %dot_general3A_23, %get3A_28, %dot_general3A_29 {dimension_numbers = #tpu.dot_dimension_numbers<[1], [0], [0], [1], [0, 0, 1, 1], [], []>, precision = #tpu.contract_precision<fp32>, transpose_lhs_hint = false} : vector<10112x32xf32>, vector<32x16xf32>, vector<10112x16xf32> -> vector<10112x16xf32>
    %swap3A_31 = arith.constant 0 : index
    %swap3A_32 = arith.constant 0 : index
    %swap3A_33 = vector.load %arg5[%swap3A_31, %swap3A_32] : memref<10112x16xf32, #tpu.memory_space<vmem>>, vector<10112x16xf32>
    tpu.vector_store %arg5[%swap3A_31, %swap3A_32], %dot_general3A_30 {strides = array<i32>} : memref<10112x16xf32, #tpu.memory_space<vmem>>, vector<10112x16xf32>,
    %slice3A = vector.extract_strided_slice %dot_general3A_30 {offsets = [0, 0], sizes = [10112, 4], strides = [1, 1]} : vector<10112x16xf32> to vector<10112x4xf32>
    %slice3A_34 = vector.extract_strided_slice %dot_general3A_30 {offsets = [0, 4], sizes = [10112, 4], strides = [1, 1]} : vector<10112x16xf32> to vector<10112x4xf32>
    %reduce_max3A = arith.constant dense<0xFF800000> : vector<4xf32>
    %reduce_max3A_35 = vector.multi_reduction <maximumf>, %slice3A, %reduce_max3A [0] : vector<10112x4xf32> to vector<4xf32>
    %broadcast_in_dim3A = vector.shape_cast %reduce_max3A_35 : vector<4xf32> to vector<1x4xf32>
    %add3A_36 = vector.broadcast %broadcast_in_dim3A : vector<1x4xf32> to vector<10112x4xf32>
    %add3A_37 = arith.addf %slice3A_34, %add3A_36 : vector<10112x4xf32>
    %mul3A = arith.constant 2.000000e-01 : f32
    %mul3A_38 = vector.broadcast %mul3A : f32 to vector<10112x4xf32>
    %mul3A_39 = arith.mulf %mul3A_38, %add3A_37 : vector<10112x4xf32>
    %max3A = arith.maximumf %add3A_37, %mul3A_39 : vector<10112x4xf32>
    %broadcast_in_dim3A_40 = arith.constant 0.000000e+00 : f32
    %broadcast_in_dim3A_41 = vector.broadcast %broadcast_in_dim3A_40 : f32 to vector<10112x8xf32>
    %concatenate3A = tpu.concatenate %slice3A_34, %max3A, %broadcast_in_dim3A_41 in 1 : vector<10112x4xf32>, vector<10112x4xf32>, vector<10112x8xf32> -> vector<10112x16xf32>
    %swap3A_42 = arith.constant 0 : index
    %swap3A_43 = arith.constant 0 : index
    %swap3A_44 = vector.load %arg6[%swap3A_42, %swap3A_43] : memref<10112x16xf32, #tpu.memory_space<vmem>>, vector<10112x16xf32>
    tpu.vector_store %arg6[%swap3A_42, %swap3A_43], %concatenate3A {strides = array<i32>} : memref<10112x16xf32, #tpu.memory_space<vmem>>, vector<10112x16xf32>,
    return
  }
}

module attributes {stable_mosaic.version = 14 : i64} {
  func.func @_final_body(%arg0: memref<2x10112x32xf32, #tpu.memory_space<vmem>>, %arg1: memref<1x32xf32, #tpu.memory_space<vmem>>, %arg2: memref<10000x32xf32, #tpu.memory_space<vmem>>) attributes {dimension_semantics = [], scalar_prefetch = 0 : i64, scratch_operands = 0 : i64, tpu.core_type = #tpu.core_type<tc>} {
    %get3A = arith.constant 0 : index
    %get3A_0 = arith.constant 0 : index
    %get3A_1 = arith.constant 0 : index
    %get3A_2 = vector.load %arg0[%get3A, %get3A_0, %get3A_1] : memref<2x10112x32xf32, #tpu.memory_space<vmem>>, vector<1x10000x32xf32>
    %get3A_3 = vector.shape_cast %get3A_2 : vector<1x10000x32xf32> to vector<10000x32xf32>
    %get3A_4 = arith.constant 1 : index
    %get3A_5 = arith.constant 0 : index
    %get3A_6 = arith.constant 0 : index
    %get3A_7 = vector.load %arg0[%get3A_4, %get3A_5, %get3A_6] : memref<2x10112x32xf32, #tpu.memory_space<vmem>>, vector<1x10000x32xf32>
    %get3A_8 = vector.shape_cast %get3A_7 : vector<1x10000x32xf32> to vector<10000x32xf32>
    %add3A = arith.addf %get3A_3, %get3A_8 : vector<10000x32xf32>
    %get3A_9 = arith.constant 0 : index
    %get3A_10 = arith.constant 0 : index
    %get3A_11 = vector.load %arg1[%get3A_9, %get3A_10] : memref<1x32xf32, #tpu.memory_space<vmem>>, vector<1x32xf32>
    %add3A_12 = vector.broadcast %get3A_11 : vector<1x32xf32> to vector<10000x32xf32>
    %add3A_13 = arith.addf %add3A, %add3A_12 : vector<10000x32xf32>
    %mul3A = arith.mulf %add3A_13, %add3A_13 : vector<10000x32xf32>
    %reduce_sum3A = arith.constant dense<0.000000e+00> : vector<10000xf32>
    %reduce_sum3A_14 = vector.multi_reduction <add>, %mul3A, %reduce_sum3A [1] : vector<10000x32xf32> to vector<10000xf32>
    %broadcast_in_dim3A = vector.shape_cast %reduce_sum3A_14 : vector<10000xf32> to vector<10000x1xf32>
    %sqrt3A = math.sqrt %broadcast_in_dim3A : vector<10000x1xf32>
    %max3A = arith.constant 5.000000e-04 : f32
    %max3A_15 = vector.broadcast %max3A : f32 to vector<10000x1xf32>
    %max3A_16 = arith.maximumf %sqrt3A, %max3A_15 : vector<10000x1xf32>
    %div3A = vector.broadcast %max3A_16 : vector<10000x1xf32> to vector<10000x32xf32>
    %div3A_17 = arith.divf %add3A_13, %div3A : vector<10000x32xf32>
    %swap3A = arith.constant 0 : index
    %swap3A_18 = arith.constant 0 : index
    %swap3A_19 = vector.load %arg2[%swap3A, %swap3A_18] : memref<10000x32xf32, #tpu.memory_space<vmem>>, vector<10000x32xf32>
    tpu.vector_store %arg2[%swap3A, %swap3A_18], %div3A_17 {strides = array<i32>} : memref<10000x32xf32, #tpu.memory_space<vmem>>, vector<10000x32xf32>,
    return
  }
}

</mosaic_0001>

<sc_bundles>
// kernel: kernel.11.cloned.1.call-start
scs
__scs_entry_jumppad:
0x0: {  	(pc) =	sbr.rel $0x88, $3  }
0x1: {  	(tag) =	ssettag $0x0;
	lr =	simm.s32 $0x1  }
0x2: {  	[smem:$0x3F97] =	sst lr;
	_ =	strace $0xD0000000  }
0x3: {  	_ = 	snop  }
0x4: {  	_ = 	snop  }
0x5: {  	_ = 	snop  }
0x6: {  	_ = 	snop  }
0x7: {  	_ = 	snop  }
__scs_overlays_trampoline_lowered:
0x8: {  	[smem:$0x3FA6] =	sst s0  }
0x9: {  	[smem:$0x3FA7] =	sst s1  }
0xa: {  	[smem:$0x3FA8] =	sst s2  }
0xb: {  	[smem:$0x3FA9] =	sst s3  }
0xc: {  	[smem:$0x3FAA] =	sst s4  }
0xd: {  	[smem:$0x3FAB] =	sst s5  }
0xe: {  	[smem:$0x3FAC] =	sst s6  }
0xf: {  	[smem:$0x3FAD] =	sst s7  }
0x10: {  	[smem:$0x3FAE] =	sst s8  }
0x11: {  	[smem:$0x3FAF] =	sst s9;
	s0 =	simm.s32 @!p0 $0x0  }
0x12: {  	s1 =	sld [smem:$0x3F95];
	s0 =	simm.s32 @p0 $0x1  }
0x13: {  	[smem:$0x3FB0] =	sst s0;
	s0 =	simm.s32 @!p1 $0x0  }
0x14: {  	s2 =	sld [smem:$0x3F94];
	s0 =	simm.s32 @p1 $0x1  }
0x15: {  	[smem:$0x3FB1] =	sst s0;
	s0 =	simm.s32 @!p2 $0x0  }
0x16: {  	s3 =	sld [smem:$0x3FDB];
	s0 =	simm.s32 @p2 $0x1  }
0x17: {  	s4 =	simm.s32 $0x1BF5;
	[smem:$0x3FB3] =	sst s0  }
0x18: {  	s0 =	sld [smem:$0x3F96];
	_ =	swait.ge [sflag:s4], $0x0  }
0x19: {  	s7 =	sld [smem:$0x3F97]  }
0x1a: {  	s8 =	sadd.s32 $0xFFFFE003, lr  }
0x1b: {  	s9 =	sadd.s32 $0xFFFFFEF7, lr;
	s5 =	simm.s32 $0xFFFFFFFF;
	p2 =	slt.u32 s8, $0xFFFFF086  }
0x1c: {  	p1 =	slt.u32 s9, $0xF7A;
	s5 =	simm.s32 @!p2 $0x0  }
0x1d: {  	s5 =	simm.s32 @p1 $0x1;
	p0 =	seq.s32 s7, s2  }
0x1e: {  	s7 =	smul.u32 @!p0 $0xF7A, s2;
	p2 =	seq.s32 @!p0 s5, $0x0  }
0x1f: {  	s9 =	smul.u32 $0xF7A, s1;
	s8 =	simm.s32 @!p0 $0x1BF5;
	p2 =	por !p2, p0  }
0x20: {  	[sflag:s8] =	ssyncset.s32 @!p0 $0xFFFFF086;
	s6 =	sadd.s32 @!p0 s3, s7;
	s7 =	simm.s32 @!p0 $0x108  }
0x21: {  	s3 =	sadd.s32 s3, s9;
	s6 =	sadd.s32 @!p0 $0x88, s6;
	s7 =	simm.s32 @p2 $0x1082  }
0x22: {  	[simem:s7], [sflag:s8] =	dma.local @!p0 [hbm:s6], $0xF7A  }
0x23: {  	s9 =	sor.u32 $0xD0000000, s2;
	s6 =	simm.s32 $0x108;
	_ =	swait.ge @!p0 [sflag:s8], $0x0  }
0x24: {  	s3 =	sadd.s32 $0x88, s3;
	s6 =	simm.s32 @!p1 $0x1082;
	[sflag:s4] =	ssyncset.s32 $0xFFFFF086  }
0x25: {  	[simem:s6], [sflag:s4] =	dma.local [hbm:s3], $0xF7A  }
0x26: {  	[smem:$0x3F97] =	sst s1;
	(tag) =	ssettag s2;
	_ =	strace s9  }
0x27: {  	s1 =	sld [smem:$0x3FA7]  }
0x28: {  	s2 =	sld [smem:$0x3FA8]  }
0x29: {  	s4 =	sld [smem:$0x3FAA]  }
0x2a: {  	p0 =	seq.s32 s5, $0x0;
	s5 =	sld [smem:$0x3FAB]  }
0x2b: {  	s6 =	sld [smem:$0x3FAC]  }
0x2c: {  	s7 =	sld [smem:$0x3FAD]  }
0x2d: {  	s3 =	simm.s32 $0x108;
	s8 =	sld [smem:$0x3FAE]  }
0x2e: {  	s3 =	simm.s32 @!p0 $0x1082;
	s9 =	sld [smem:$0x3FAF]  }
0x2f: {  	lr =	sadd.s32 s0, s3;
	s0 =	sld [smem:$0x3FA6]  }
0x30: {  	s3 =	sld [smem:$0x3FA9]  }
0x31: {  	[smem:$0x3FB2] =	sst s10  }
0x32: {  	s10 =	sld [smem:$0x3FB0];
	_ =	sdelay $0x3  }
0x33: {  	p0 =	seq.s32 s10, $0x1;
	s10 =	sld [smem:$0x3FB2];
	_ =	sdelay $0x3  }
0x34: {  	[smem:$0x3FB2] =	sst s10  }
0x35: {  	s10 =	sld [smem:$0x3FB1];
	_ =	sdelay $0x3  }
0x36: {  	p1 =	seq.s32 s10, $0x1;
	s10 =	sld [smem:$0x3FB2];
	_ =	sdelay $0x3  }
0x37: {  	[smem:$0x3FB2] =	sst s10  }
0x38: {  	s10 =	sld [smem:$0x3FB3]  }
0x39: {  	_ = 	snop;
	(pc) =	sbr.ind lr, $3  }
0x3a: {  	_ = 	snop  }
0x3b: {  	_ = 	snop  }
0x3c: {  	p2 =	seq.s32 s10, $0x1;
	s10 =	sld [smem:$0x3FB2]  }
0x3d: {  	_ =	shalt  }
0x3e: {  	_ =	shalt  }
0x3f: {  	_ =	shalt  }
0x40: {  	_ =	shalt  }
0x41: {  	_ =	shalt  }
0x42: {  	_ =	shalt  }
0x43: {  	_ =	shalt  }
0x44: {  	_ =	shalt  }
0x45: {  	_ =	shalt  }
0x46: {  	_ =	shalt  }
0x47: {  	_ =	shalt  }
0x48: {  	_ =	shalt  }
0x49: {  	_ =	shalt  }
0x4a: {  	_ =	shalt  }
0x4b: {  	_ =	shalt  }
0x4c: {  	_ =	shalt  }
0x4d: {  	_ =	shalt  }
0x4e: {  	_ =	shalt  }
0x4f: {  	_ =	shalt  }
0x50: {  	_ =	shalt  }
0x51: {  	_ =	shalt  }
0x52: {  	_ =	shalt  }
0x53: {  	_ =	shalt  }
0x54: {  	_ =	shalt  }
0x55: {  	_ =	shalt  }
0x56: {  	_ =	shalt  }
0x57: {  	_ =	shalt  }
0x58: {  	_ =	shalt  }
0x59: {  	_ =	shalt  }
0x5a: {  	_ =	shalt  }
0x5b: {  	_ =	shalt  }
0x5c: {  	_ =	shalt  }
0x5d: {  	_ =	shalt  }
0x5e: {  	_ =	shalt  }
0x5f: {  	_ =	shalt  }
0x60: {  	_ =	shalt  }
0x61: {  	_ =	shalt  }
0x62: {  	_ =	shalt  }
0x63: {  	_ =	shalt  }
0x64: {  	_ =	shalt  }
0x65: {  	_ =	shalt  }
0x66: {  	_ =	shalt  }
0x67: {  	_ =	shalt  }
0x68: {  	_ =	shalt  }
0x69: {  	_ =	shalt  }
0x6a: {  	_ =	shalt  }
0x6b: {  	_ =	shalt  }
0x6c: {  	_ =	shalt  }
0x6d: {  	_ =	shalt  }
0x6e: {  	_ =	shalt  }
0x6f: {  	_ =	shalt  }
0x70: {  	_ =	shalt  }
0x71: {  	_ =	shalt  }
0x72: {  	_ =	shalt  }
0x73: {  	_ =	shalt  }
0x74: {  	_ =	shalt  }
0x75: {  	_ =	shalt  }
0x76: {  	_ =	shalt  }
0x77: {  	_ =	shalt  }
0x78: {  	_ =	shalt  }
0x79: {  	_ =	shalt  }
0x7a: {  	_ =	shalt  }
0x7b: {  	_ =	shalt  }
0x7c: {  	_ =	shalt  }
0x7d: {  	_ =	shalt  }
0x7e: {  	_ =	shalt  }
0x7f: {  	_ =	shalt  }
0x80: {  	_ =	shalt  }
0x81: {  	_ =	shalt  }
0x82: {  	_ =	shalt  }
0x83: {  	_ =	shalt  }
0x84: {  	_ =	shalt  }
0x85: {  	_ =	shalt  }
0x86: {  	_ =	shalt  }
0x87: {  	_ =	shalt  }
.Lfunc_end0:
.L_simem_size_0:
called_computation_lowered:
.L_overlay_start_0:
0x88: {  	s2 =	sld [smem:$0x3FD9]  }
0x89: {  	s3 =	sld [smem:$0x3FFE];
	_ =	sdelay $0x1  }
0x8a: {  	s1 =	srdreg.scid  }
0x8b: {  	s0 =	sand.u32 $0x1, s1  }
0x8c: {  	s17 =	sshll.u32 s0, $0xA;
	s2 =	sadd.s32 s3, s2  }
0x8d: {  	s2 =	sadd.s32 s2, s17  }
0x8e: {  	[smem:$0x3FBE] =	sst s2  }
0x8f: {  	_ = 	snop  }
0x90: {  	s2 =	sld [smem:$0x3FD0];
	(tm) =	ssettm $0x1  }
0x91: {  	s18 =	sld [smem:$0x3FFB];
	_ =	sdelay $0x3  }
0x92: {  	_ =	strace s18  }
0x93: {  	s3 =	sld [smem:$0x3FFC];
	_ =	sdelay $0x3  }
0x94: {  	_ =	strace s3  }
0x95: {  	s3 =	sld [smem:$0x3FFD];
	_ =	sdelay $0x3  }
0x96: {  	_ =	strace s3  }
0x97: {  	_ =	strace $0x8FFFFFFF  }
0x98: {  	s19 =	sld [smem:$0x3FDB];
	_ =	sdelay $0x1  }
0x99: {  	s4 =	simm.s32 $_scs_section_size  }
0x9a: {  	s5 =	simm.s32 $_size__tile_overlayer_lowered;
	s6 =	simm.s32 $_tile_overlayer_lowered  }
0x9b: {  	s22 =	simm.s32 $0x1BFF;
	s21 =	sshll.u32 s6, $0x1;
	s3 =	sadd.s32 s4, s19  }
0x9c: {  	s7 =	simm.s32 $0x0;
	s20 =	sshll.u32 s5, $0x1;
	s5 =	sadd.s32 s21, s3  }
0x9d: {  	[timem:s7], [sflag:s22] =	dma.local [hbm:s5], s20  }
0x9e: {  	_ =	swait.ge [sflag:s22], s20  }
0x9f: {  	s4 =	ssub.s32 $0x0, s20;
	[sflag:s22] =	ssyncset.done $0x0  }
0xa0: {  	[sflag:s22] =	ssyncadd.s32 s4;
	_ =	sdelay $0x1  }
0xa1: {  	s23 =	simm.s32 $0x1B8B  }
0xa2: {  	_ =	swait.ge [sflag:s23], $0x1  }
0xa3: {  	[sflag:s23] =	ssyncset.done $0x0  }
0xa4: {  	s25 =	simm.s32 $0x1B8E;
	s24 =	sld [smem:$0x3FFE];
	[sflag:s23] =	ssyncadd.s32 $0xFFFFFFFF  }
0xa5: {  	s26 =	simm.s32 $execute0_lowered;
	[smem:$0x3FD2] =	sst s25  }
0xa6: {  	s5 =	sshll.u32 s26, $0x1;
	_ =	strace $0x80000046;
	[dreg:$0x1] =	wrdreg $0xFFFFFFFF  }
0xa7: {  	s28 =	simm.s32 $_size_execute0_lowered;
	s3 =	sadd.s32 s3, s5;
	[dreg:$0x0] =	wrdreg $0x0  }
0xa8: {  	s5 =	sshll.u32 s28, $0x1;
	[dreg:$0x2] =	wrdreg s3  }
0xa9: {  	[dreg:$0x3] =	wrdreg s5  }
0xaa: {  	[dreg:$0x4] =	wrdreg $0xC0  }
0xab: {  	_ =	task [dreg:s7], $0x5FFFF  }
0xac: {  	[dreg:$0x1] =	wrdreg $0xFFFFFFFF  }
0xad: {  	[dreg:$0x0] =	wrdreg $0x60  }
0xae: {  	[dreg:$0x2] =	wrdreg s24  }
0xaf: {  	[dreg:$0x3] =	wrdreg s2  }
0xb0: {  	[dreg:$0x4] =	wrdreg $0x40800  }
0xb1: {  	[dreg:$0x5] =	wrdreg $0x9  }
0xb2: {  	_ =	task.clear_ibuf [dreg:s7], $0x6FFFF;
	_ =	strace $0x90000046  }
0xb3: {  	s29 =	simm.s32 $0x9;
	_ =	strace $0x80000048  }
0xb4: {  	_ =	swait.ge [sflag:s29], $0x1  }
0xb5: {  	[sflag:s29] =	ssyncadd.s32 $0xFFFFFFFF  }
0xb6: {  	_ =	strace $0x90000048  }
0xb7: {  	_ =	sfence  }
0xb8: {  	s30 =	sld [smem:$0x0];
	_ =	sdelay $0x2  }
0xb9: {  	s31 =	sshll.u32 s1, $0xD;
	s1 =	sshrl.u32 s1, $0x2  }
0xba: {  	s3 =	sand.u32 $0x4000, s31;
	s1 =	sadd.s32 s1, s30  }
0xbb: {  	s0 =	sor.u32 s3, s0;
	s1 =	sshll.u32 s1, $0x11  }
0xbc: {  	s0 =	sor.u32 s1, s0  }
0xbd: {  	s0 =	sadd.s32 $0x8F2B, s0  }
0xbe: {  	[sflag:s0] =	ssyncadd.remote.s32 $0x1  }
0xbf: {  	_ =	sfence.sel $0xFFFF  }
0xc0: {  	[dreg:$0x0] =	wrdreg $0xFFFFFFFF;
	(pc) =	sbr.abs _section_cstart, $3  }
0xc1: {  	[dreg:$0x1] =	wrdreg $0xFFFFFFFF  }
0xc2: {  	_ =	task.clear_ibuf [dreg:s7], $0x2FFFF;
	_ =	strace $0x9FFFFFFF  }
0xc3: {  	(tm) =	ssettm $0x7FFFFFFF  }
tec
execute0_lowered:
.L_overlay_start_1:
0x0: {  	(tag) =	ssettag $0x1  }
0x1: {  	s5 =	rddreg [dreg:$0x0]  }
0x2: {  	s11 =	rddreg [dreg:$0x1]  }
0x3: {  	s1 =	rddreg [dreg:$0x2]  }
0x4: {  	s0 =	rddreg [dreg:$0x3];
	s2 =	simm.s32 $0x0;
	s9 =	srdreg.scid  }
0x5: {  	s16 =	simm.s32 $0x2;
	s17 =	simm.s32 $0x900;
	s18 =	simm.s32 $0x1100  }
0x6: {  	[smem:$0x7FF] =	sst s2;
	s3 =	sadd.s32 $0x2400, s5;
	s4 =	sadd.s32 $0x7400, s5  }
0x7: {  	v0 =	vimm.s32 $0xFEDCBA98;
	s6 =	sadd.s32 $0xC400, s5;
	s7 =	sadd.s32 $0x16600, s5;
	s8 =	sadd.s32 $0x20800, s5  }
0x8: {  	v1 =	vimm.s32 $0x76543210;
	s5 =	stileid.u32;
	s9 =	sand.u32 $0x1, s9;
	v0 =	vunpack.c.l.s4.s8 v0;
	_ =	strace $0x80000047  }
0x9: {  	v1 =	vunpack.c.l.s4.s8 v1;
	s10 =	ssub.s32 $0x2, s9;
	s12 =	sshll.u32 s9, $0x4;
	s13 =	smul.u32 $0x2780, s5  }
0xa: {  	s15 =	smul.u32 $0x4F00, s9;
	s14 =	sshrl.u32 s10, $0x1;
	s12 =	sor.u32 s5, s12;
	v2 =	vunpack.c.0.s8.s32 v0  }
0xb: {  	v1 =	vunpack.c.0.s8.s32 v1;
	s14 =	ssub.s32 s10, s14;
	s9 =	sadd.s32 s13, s1;
	s10 =	smul.u32 $0x2880, s12  }
0xc: {  	s19 =	sadd.s32 s11, s15;
	s20 =	sshrl.u32 s13, $0x3;
	s12 =	simm.s32 $0x1900;
	v2 =	vand.u32 $0xF, v2  }
0xd: {  	vm0 =	vcmask $0x1F00;
	v0 =	vimm.f32 $0.0e+00;
	s13 =	simm.s32 $0x3;
	s15 =	simm.s32 $0x1;
	s11 =	smax.u32 s14, $0x1;
	v1 =	vcombine.low v2, v1  }
0xe: {  	s14 =	simm.s32 $0x80;
	s19 =	sadd.s32 s20, s19;
	s20 =	simm.s32 $0x0;
	v2 =	vsel vm0, $0x3F800000, v0  }
.LBB2_1:
0xf: {  	s21 =	simm.s32 $0x40;
	s22 =	simm.s32 $0x0  }
.LBB2_2:
0x10: {  	p0 =	sne.s32 s21, $0x9DC0;
	[tilespmem:s22+$0x1900] =	vst v0;
	s22 =	smov.u32 s21;
	s21 =	sadd.s32 $0x40, s21  }
.Ltmp0:
0x11: {  	(pc) =	sbr.rel @p0 .LBB2_2-.Ltmp0, $2  }
0x12: {  	_ =	sdelay $0x2  }
0x13: {  	s22 =	sshra.s32 s22, $0x2  }
0x14: {  	[tilespmem:s22+$0x1900] =	vst v0  }
0x15: {  	[spmem:s9] =	stream.linear.scatter [tilespmem:s12], [sflag:$0x3], $0x2780, $0x38;
	[tilespmem:$0x6800] =	vst v63  }
0x16: {  	_ =	swait.ge [sflag:s13], $0x2780  }
0x17: {  	[sflag:s13] =	ssyncset.done $0x0  }
0x18: {  	[sflag:s13] =	ssyncadd.s32 $0xFFFFD880  }
0x19: {  	s21 =	simm.s32 $0x0;
	s22 =	simm.s32 $0x0;
	[bflag:$0x0] =	sbarrier.arrive $0xFFFF  }
.LBB2_4:
0x1a: {  	s23 =	sshll.u32 s22, $0x7  }
0x1b: {  	s23 =	sadd.s32 s10, s23  }
0x1c: {  	s24 =	sshrl.u32 s23, $0x3  }
0x1d: {  	s25 =	sadd.s32 s6, s24  }
0x1e: {  	[tilespmem:s21], [sflag:$0x3] =	stream.linear.gather [hbm4b:s25+s21], $0x80, $0x38;
	[tilespmem:$0x6800] =	vst v63  }
0x1f: {  	_ =	swait.ge [sflag:s13], $0x80  }
0x20: {  	[sflag:s13] =	ssyncset.done $0x0  }
0x21: {  	s24 =	sadd.s32 s7, s24;
	[sflag:s13] =	ssyncadd.s32 $0xFFFFFF80  }
0x22: {  	[tilespmem:s14], [sflag:$0x3] =	stream.linear.gather [hbm4b:s24+s21], $0x80, $0x38;
	[tilespmem:$0x6800] =	vst v63  }
0x23: {  	_ =	swait.ge [sflag:s13], $0x80  }
0x24: {  	[sflag:s13] =	ssyncset.done $0x0  }
0x25: {  	s24 =	simm.s32 $0x100;
	[sflag:s13] =	ssyncadd.s32 $0xFFFFFF80  }
0x26: {  	[tilespmem:s24], [sflag:$0x1] =	stream.indirect.gather [hbm4b:s3+s14], $0x10, s21, s14, $0xb8;
	[tilespmem:$0x6800] =	vst v63  }
0x27: {  	s31 =	simm.s32 $0x900  }
0x28: {  	[tilespmem:s31], [sflag:$0x2] =	stream.indirect.gather [hbm4b:s4+s14], $0x10, s14, s14, $0xb8;
	[tilespmem:$0x6800] =	vst v63  }
0x29: {  	_ =	swait.ge [sflag:s15], $0x800  }
0x2a: {  	[sflag:s15] =	ssyncset.done $0x0  }
0x2b: {  	[sflag:s15] =	ssyncadd.s32 $0xFFFFF800  }
0x2c: {  	_ =	swait.ge [sflag:s16], $0x800  }
0x2d: {  	[sflag:s16] =	ssyncset.done $0x0  }
0x2e: {  	[sflag:s16] =	ssyncadd.s32 $0xFFFFF800  }
0x2f: {  	s26 =	simm.s32 $0x0;
	v3 =	vld [tilespmem:s31+$0x0]  }
0x30: {  	v4 =	vor.u32 s26, v1;
	v5 =	vld [tilespmem:s24+$0x0];
	_ =	sdelay $0x4  }
0x31: {  	v4 =	vld.idx.msk [tilespmem:v4+s17+$0x0], $0xffff;
	v3 =	vadd.f32 v3, v5;
	_ =	sdelay $0x1  }
0x32: {  	v5 =	vmul.f32 $2.000000030e-01, v3;
	_ =	sdelay $0x1  }
0x33: {  	v3 =	vmax.f32 v3, v5  }
0x34: {  	v3 =	vsub.f32 v3, v4;
	_ =	sdelay $0x1  }
0x35: {  	v3 =	vmul.f32 $1.442695020e+00, v3;
	_ =	sdelay $0x1  }
0x36: {  	(erf) = vpow2.f32 v3;
	_ =	sdelay $0x8  }
0x37: {  	v3 =	vpop (erf)  }
0x38: {  	v3 =	vmul.f32 v2, v3  }
0x39: {  	s25 =	simm.s32 $0x1100  }
0x3a: {  	s29 =	simm.s32 $0x10;
	s28 =	simm.s32 $0x910;
	s26 =	simm.s32 $0x2;
	[tilespmem:s25+$0x0] =	vst v3  }
.LBB2_5:
0x3b: {  	p0 =	sne.s32 s26, $0x7F;
	v3 =	vld [tilespmem:s28+$0x0];
	v4 =	vor.u32 s29, v1;
	s24 =	sadd.s32 $0x10, s24  }
0x3c: {  	v5 =	vld [tilespmem:s24+$0x0];
	_ =	sdelay $0x3  }
0x3d: {  	v4 =	vld.idx.msk [tilespmem:v4+s17+$0x0], $0xffff  }
0x3e: {  	v3 =	vadd.f32 v3, v5;
	_ =	sdelay $0x1  }
0x3f: {  	v5 =	vmul.f32 $2.000000030e-01, v3;
	_ =	sdelay $0x1  }
0x40: {  	v3 =	vmax.f32 v3, v5  }
0x41: {  	v3 =	vsub.f32 v3, v4;
	_ =	sdelay $0x1  }
0x42: {  	v3 =	vmul.f32 $1.442695020e+00, v3;
	_ =	sdelay $0x1  }
0x43: {  	(erf) = vpow2.f32 v3;
	_ =	sdelay $0x7  }
.Ltmp1:
0x44: {  	(pc) =	sbr.rel @p0 .LBB2_5-.Ltmp1, $4  }
0x45: {  	v3 =	vpop (erf)  }
0x46: {  	v3 =	vmul.f32 v2, v3  }
0x47: {  	s25 =	sadd.s32 $0x10, s25  }
0x48: {  	s29 =	sshll.u32 s26, $0x4;
	s26 =	sadd.s32 $0x1, s26;
	s28 =	sadd.s32 $0x10, s28;
	[tilespmem:s25+$0x0] =	vst v3  }
0x49: {  	v3 =	vld [tilespmem:s28+$0x0];
	s24 =	sadd.s32 $0x10, s24  }
0x4a: {  	v4 =	vor.u32 s29, v1;
	v5 =	vld [tilespmem:s24+$0x0];
	_ =	sdelay $0x4  }
0x4b: {  	v4 =	vld.idx.msk [tilespmem:v4+s17+$0x0], $0xffff;
	v3 =	vadd.f32 v3, v5;
	_ =	sdelay $0x1  }
0x4c: {  	v5 =	vmul.f32 $2.000000030e-01, v3;
	_ =	sdelay $0x1  }
0x4d: {  	v3 =	vmax.f32 v3, v5  }
0x4e: {  	v3 =	vsub.f32 v3, v4;
	_ =	sdelay $0x1  }
0x4f: {  	v3 =	vmul.f32 $1.442695020e+00, v3;
	_ =	sdelay $0x1  }
0x50: {  	(erf) = vpow2.f32 v3;
	_ =	sdelay $0x8  }
0x51: {  	v3 =	vpop (erf)  }
0x52: {  	v3 =	vmul.f32 v2, v3  }
0x53: {  	s31 =	sadd.s32 $0x10, s25;
	s23 =	sshll.u32 s23, $0x1  }
0x54: {  	s23 =	sadd.s32 s8, s23;
	[tilespmem:s31+$0x0] =	vst v3  }
0x55: {  	[hbm4b:s23+s2] =	stream.linear.scatter [tilespmem:s18], [sflag:$0x3], $0x800, $0x38;
	[tilespmem:$0x6800] =	vst v63  }
0x56: {  	s22 =	sadd.s32 $0x1, s22;
	_ =	swait.ge [sflag:s13], $0x800  }
0x57: {  	p0 =	sne.s32 s22, $0x51;
	[sflag:s13] =	ssyncset.done $0x0  }
.Ltmp2:
0x58: {  	[sflag:s13] =	ssyncadd.s32 $0xFFFFF800;
	(pc) =	sbr.rel @p0 .LBB2_4-.Ltmp2, $4  }
0x59: {  	[spmem:s1] =	stream.indirect.scatter.add.f32 [tilespmem:s18], [sflag:$0x3], $0x10, s14, s14, $0xb8;
	[tilespmem:$0x6800] =	vst v63  }
0x5a: {  	_ =	swait.ge [sflag:s13], $0x800  }
0x5b: {  	[sflag:s13] =	ssyncset.done $0x0  }
0x5c: {  	[sflag:s13] =	ssyncadd.s32 $0xFFFFF800  }
0x5d: {  	[bflag:$0x0] =	sbarrier.arrive $0xFFFF  }
0x5e: {  	[tilespmem:s12], [sflag:$0x3] =	stream.linear.gather [spmem:s9], $0x2780, $0x38;
	[tilespmem:$0x6800] =	vst v63  }
0x5f: {  	s20 =	sadd.s32 $0x1, s20;
	_ =	swait.ge [sflag:s13], $0x2780  }
0x60: {  	p0 =	sne.s32 s20, s11;
	[sflag:s13] =	ssyncset.done $0x0  }
.Ltmp3:
0x61: {  	[sflag:s13] =	ssyncadd.s32 $0xFFFFD880;
	(pc) =	sbr.rel @p0 .LBB2_1-.Ltmp3, $4  }
0x62: {  	[hbm4b:s19+s2] =	stream.linear.scatter [tilespmem:s12], [sflag:$0x3], $0x2780, $0x38;
	[tilespmem:$0x6800] =	vst v63  }
0x63: {  	_ =	swait.ge [sflag:s13], $0x2780  }
0x64: {  	[sflag:s13] =	ssyncset.done $0x0  }
0x65: {  	[sflag:s13] =	ssyncadd.s32 $0xFFFFD880  }
0x66: {  	_ =	sfence.sel $0x180000  }
0x67: {  	[bflag:$0x0] =	sbarrier.arrive $0xFFFF  }
0x68: {  	p0 =	sne.s32 s5, $0x0;
	_ =	strace $0x90000047  }
0x69: {  	s0 =	sadd.s32 @!p0 $0x100000, s0;
	[bflag:$0x2] =	sbarrier.arrive $0xFFFF  }
0x6a: {  	[sflag:s0] =	ssyncadd.tile.s32 @!p0 $0x1;
	_ =	shalt  }
.Lfunc_end2:
_tile_overlayer_lowered:
.L_overlay_start_2:
0x6b: {  	(tag) =	ssettag $0x2  }
0x6c: {  	s0 =	rddreg [dreg:$0x0];
	s2 =	stileid.u32  }
0x6d: {  	s1 =	rddreg [dreg:$0x1];
	p0 =	sne.s32 s2, $0x0  }
0x6e: {  	s3 =	rddreg [dreg:$0x2];
	[bflag:$0x3] =	sbarrier.arrive $0xFFFF;
	s2 =	simm.s32 @!p0 $0x1C03  }
0x6f: {  	[timem:s3], [sflag:s2] =	dma.local @!p0 [hbm:s0], s1  }
0x70: {  	s0 =	simm.s32 @!p0 $0x3  }
0x71: {  	_ =	swait.ge @!p0 [sflag:s0], s1  }
0x72: {  	s1 =	ssub.s32 @!p0 $0x0, s1;
	[sflag:s0] =	ssyncset.done @!p0 $0x0  }
0x73: {  	[sflag:s0] =	ssyncadd.s32 @!p0 s1  }
0x74: {  	[bflag:$0x3] =	sbarrier.arrive $0xFFFF  }
0x75: {  	_ =	shalt  }

// kernel: kernel.14.cloned.1.call-start
scs
__scs_entry_jumppad:
0x0: {  	(pc) =	sbr.rel $0x88, $3  }
0x1: {  	(tag) =	ssettag $0x0;
	lr =	simm.s32 $0x1  }
0x2: {  	[smem:$0x3F97] =	sst lr;
	_ =	strace $0xD0000000  }
0x3: {  	_ = 	snop  }
0x4: {  	_ = 	snop  }
0x5: {  	_ = 	snop  }
0x6: {  	_ = 	snop  }
0x7: {  	_ = 	snop  }
__scs_overlays_trampoline_lowered:
0x8: {  	[smem:$0x3FA6] =	sst s0  }
0x9: {  	[smem:$0x3FA7] =	sst s1  }
0xa: {  	[smem:$0x3FA8] =	sst s2  }
0xb: {  	[smem:$0x3FA9] =	sst s3  }
0xc: {  	[smem:$0x3FAA] =	sst s4  }
0xd: {  	[smem:$0x3FAB] =	sst s5  }
0xe: {  	[smem:$0x3FAC] =	sst s6  }
0xf: {  	[smem:$0x3FAD] =	sst s7  }
0x10: {  	[smem:$0x3FAE] =	sst s8  }
0x11: {  	[smem:$0x3FAF] =	sst s9;
	s0 =	simm.s32 @!p0 $0x0  }
0x12: {  	s1 =	sld [smem:$0x3F95];
	s0 =	simm.s32 @p0 $0x1  }
0x13: {  	[smem:$0x3FB0] =	sst s0;
	s0 =	simm.s32 @!p1 $0x0  }
0x14: {  	s2 =	sld [smem:$0x3F94];
	s0 =	simm.s32 @p1 $0x1  }
0x15: {  	[smem:$0x3FB1] =	sst s0;
	s0 =	simm.s32 @!p2 $0x0  }
0x16: {  	s3 =	sld [smem:$0x3FDB];
	s0 =	simm.s32 @p2 $0x1  }
0x17: {  	s4 =	simm.s32 $0x1BF5;
	[smem:$0x3FB3] =	sst s0  }
0x18: {  	s0 =	sld [smem:$0x3F96];
	_ =	swait.ge [sflag:s4], $0x0  }
0x19: {  	s7 =	sld [smem:$0x3F97]  }
0x1a: {  	s8 =	sadd.s32 $0xFFFFE003, lr  }
0x1b: {  	s9 =	sadd.s32 $0xFFFFFEF7, lr;
	s5 =	simm.s32 $0xFFFFFFFF;
	p2 =	slt.u32 s8, $0xFFFFF086  }
0x1c: {  	p1 =	slt.u32 s9, $0xF7A;
	s5 =	simm.s32 @!p2 $0x0  }
0x1d: {  	s5 =	simm.s32 @p1 $0x1;
	p0 =	seq.s32 s7, s2  }
0x1e: {  	s7 =	smul.u32 @!p0 $0xF7A, s2;
	p2 =	seq.s32 @!p0 s5, $0x0  }
0x1f: {  	s9 =	smul.u32 $0xF7A, s1;
	s8 =	simm.s32 @!p0 $0x1BF5;
	p2 =	por !p2, p0  }
0x20: {  	[sflag:s8] =	ssyncset.s32 @!p0 $0xFFFFF086;
	s6 =	sadd.s32 @!p0 s3, s7;
	s7 =	simm.s32 @!p0 $0x108  }
0x21: {  	s3 =	sadd.s32 s3, s9;
	s6 =	sadd.s32 @!p0 $0x88, s6;
	s7 =	simm.s32 @p2 $0x1082  }
0x22: {  	[simem:s7], [sflag:s8] =	dma.local @!p0 [hbm:s6], $0xF7A  }
0x23: {  	s9 =	sor.u32 $0xD0000000, s2;
	s6 =	simm.s32 $0x108;
	_ =	swait.ge @!p0 [sflag:s8], $0x0  }
0x24: {  	s3 =	sadd.s32 $0x88, s3;
	s6 =	simm.s32 @!p1 $0x1082;
	[sflag:s4] =	ssyncset.s32 $0xFFFFF086  }
0x25: {  	[simem:s6], [sflag:s4] =	dma.local [hbm:s3], $0xF7A  }
0x26: {  	[smem:$0x3F97] =	sst s1;
	(tag) =	ssettag s2;
	_ =	strace s9  }
0x27: {  	s1 =	sld [smem:$0x3FA7]  }
0x28: {  	s2 =	sld [smem:$0x3FA8]  }
0x29: {  	s4 =	sld [smem:$0x3FAA]  }
0x2a: {  	p0 =	seq.s32 s5, $0x0;
	s5 =	sld [smem:$0x3FAB]  }
0x2b: {  	s6 =	sld [smem:$0x3FAC]  }
0x2c: {  	s7 =	sld [smem:$0x3FAD]  }
0x2d: {  	s3 =	simm.s32 $0x108;
	s8 =	sld [smem:$0x3FAE]  }
0x2e: {  	s3 =	simm.s32 @!p0 $0x1082;
	s9 =	sld [smem:$0x3FAF]  }
0x2f: {  	lr =	sadd.s32 s0, s3;
	s0 =	sld [smem:$0x3FA6]  }
0x30: {  	s3 =	sld [smem:$0x3FA9]  }
0x31: {  	[smem:$0x3FB2] =	sst s10  }
0x32: {  	s10 =	sld [smem:$0x3FB0];
	_ =	sdelay $0x3  }
0x33: {  	p0 =	seq.s32 s10, $0x1;
	s10 =	sld [smem:$0x3FB2];
	_ =	sdelay $0x3  }
0x34: {  	[smem:$0x3FB2] =	sst s10  }
0x35: {  	s10 =	sld [smem:$0x3FB1];
	_ =	sdelay $0x3  }
0x36: {  	p1 =	seq.s32 s10, $0x1;
	s10 =	sld [smem:$0x3FB2];
	_ =	sdelay $0x3  }
0x37: {  	[smem:$0x3FB2] =	sst s10  }
0x38: {  	s10 =	sld [smem:$0x3FB3]  }
0x39: {  	_ = 	snop;
	(pc) =	sbr.ind lr, $3  }
0x3a: {  	_ = 	snop  }
0x3b: {  	_ = 	snop  }
0x3c: {  	p2 =	seq.s32 s10, $0x1;
	s10 =	sld [smem:$0x3FB2]  }
0x3d: {  	_ =	shalt  }
0x3e: {  	_ =	shalt  }
0x3f: {  	_ =	shalt  }
0x40: {  	_ =	shalt  }
0x41: {  	_ =	shalt  }
0x42: {  	_ =	shalt  }
0x43: {  	_ =	shalt  }
0x44: {  	_ =	shalt  }
0x45: {  	_ =	shalt  }
0x46: {  	_ =	shalt  }
0x47: {  	_ =	shalt  }
0x48: {  	_ =	shalt  }
0x49: {  	_ =	shalt  }
0x4a: {  	_ =	shalt  }
0x4b: {  	_ =	shalt  }
0x4c: {  	_ =	shalt  }
0x4d: {  	_ =	shalt  }
0x4e: {  	_ =	shalt  }
0x4f: {  	_ =	shalt  }
0x50: {  	_ =	shalt  }
0x51: {  	_ =	shalt  }
0x52: {  	_ =	shalt  }
0x53: {  	_ =	shalt  }
0x54: {  	_ =	shalt  }
0x55: {  	_ =	shalt  }
0x56: {  	_ =	shalt  }
0x57: {  	_ =	shalt  }
0x58: {  	_ =	shalt  }
0x59: {  	_ =	shalt  }
0x5a: {  	_ =	shalt  }
0x5b: {  	_ =	shalt  }
0x5c: {  	_ =	shalt  }
0x5d: {  	_ =	shalt  }
0x5e: {  	_ =	shalt  }
0x5f: {  	_ =	shalt  }
0x60: {  	_ =	shalt  }
0x61: {  	_ =	shalt  }
0x62: {  	_ =	shalt  }
0x63: {  	_ =	shalt  }
0x64: {  	_ =	shalt  }
0x65: {  	_ =	shalt  }
0x66: {  	_ =	shalt  }
0x67: {  	_ =	shalt  }
0x68: {  	_ =	shalt  }
0x69: {  	_ =	shalt  }
0x6a: {  	_ =	shalt  }
0x6b: {  	_ =	shalt  }
0x6c: {  	_ =	shalt  }
0x6d: {  	_ =	shalt  }
0x6e: {  	_ =	shalt  }
0x6f: {  	_ =	shalt  }
0x70: {  	_ =	shalt  }
0x71: {  	_ =	shalt  }
0x72: {  	_ =	shalt  }
0x73: {  	_ =	shalt  }
0x74: {  	_ =	shalt  }
0x75: {  	_ =	shalt  }
0x76: {  	_ =	shalt  }
0x77: {  	_ =	shalt  }
0x78: {  	_ =	shalt  }
0x79: {  	_ =	shalt  }
0x7a: {  	_ =	shalt  }
0x7b: {  	_ =	shalt  }
0x7c: {  	_ =	shalt  }
0x7d: {  	_ =	shalt  }
0x7e: {  	_ =	shalt  }
0x7f: {  	_ =	shalt  }
0x80: {  	_ =	shalt  }
0x81: {  	_ =	shalt  }
0x82: {  	_ =	shalt  }
0x83: {  	_ =	shalt  }
0x84: {  	_ =	shalt  }
0x85: {  	_ =	shalt  }
0x86: {  	_ =	shalt  }
0x87: {  	_ =	shalt  }
.Lfunc_end0:
.L_simem_size_0:
called_computation.1_lowered:
.L_overlay_start_0:
0x88: {  	s2 =	sld [smem:$0x3FD9]  }
0x89: {  	s3 =	sld [smem:$0x3FFE];
	_ =	sdelay $0x1  }
0x8a: {  	s1 =	srdreg.scid  }
0x8b: {  	s0 =	sand.u32 $0x1, s1  }
0x8c: {  	s17 =	sshll.u32 s0, $0xA;
	s2 =	sadd.s32 s3, s2  }
0x8d: {  	s2 =	sadd.s32 s2, s17  }
0x8e: {  	[smem:$0x3FBE] =	sst s2  }
0x8f: {  	_ = 	snop  }
0x90: {  	s2 =	sld [smem:$0x3FD0];
	(tm) =	ssettm $0x1  }
0x91: {  	s18 =	sld [smem:$0x3FFB];
	_ =	sdelay $0x3  }
0x92: {  	_ =	strace s18  }
0x93: {  	s3 =	sld [smem:$0x3FFC];
	_ =	sdelay $0x3  }
0x94: {  	_ =	strace s3  }
0x95: {  	s3 =	sld [smem:$0x3FFD];
	_ =	sdelay $0x3  }
0x96: {  	_ =	strace s3  }
0x97: {  	_ =	strace $0x8FFFFFFF  }
0x98: {  	s19 =	sld [smem:$0x3FDB];
	_ =	sdelay $0x1  }
0x99: {  	s4 =	simm.s32 $_scs_section_size  }
0x9a: {  	s5 =	simm.s32 $_size__tile_overlayer_lowered;
	s6 =	simm.s32 $_tile_overlayer_lowered  }
0x9b: {  	s22 =	simm.s32 $0x1BFF;
	s21 =	sshll.u32 s6, $0x1;
	s3 =	sadd.s32 s4, s19  }
0x9c: {  	s7 =	simm.s32 $0x0;
	s20 =	sshll.u32 s5, $0x1;
	s5 =	sadd.s32 s21, s3  }
0x9d: {  	[timem:s7], [sflag:s22] =	dma.local [hbm:s5], s20  }
0x9e: {  	_ =	swait.ge [sflag:s22], s20  }
0x9f: {  	s4 =	ssub.s32 $0x0, s20;
	[sflag:s22] =	ssyncset.done $0x0  }
0xa0: {  	[sflag:s22] =	ssyncadd.s32 s4;
	_ =	sdelay $0x1  }
0xa1: {  	s23 =	simm.s32 $0x1B8B  }
0xa2: {  	_ =	swait.ge [sflag:s23], $0x1  }
0xa3: {  	[sflag:s23] =	ssyncset.done $0x0  }
0xa4: {  	s25 =	simm.s32 $0x1B8E;
	s24 =	sld [smem:$0x3FFE];
	[sflag:s23] =	ssyncadd.s32 $0xFFFFFFFF  }
0xa5: {  	s26 =	simm.s32 $execute0_lowered;
	[smem:$0x3FD2] =	sst s25  }
0xa6: {  	s5 =	sshll.u32 s26, $0x1;
	_ =	strace $0x80000049;
	[dreg:$0x1] =	wrdreg $0xFFFFFFFF  }
0xa7: {  	s28 =	simm.s32 $_size_execute0_lowered;
	s3 =	sadd.s32 s3, s5;
	[dreg:$0x0] =	wrdreg $0x0  }
0xa8: {  	s5 =	sshll.u32 s28, $0x1;
	[dreg:$0x2] =	wrdreg s3  }
0xa9: {  	[dreg:$0x3] =	wrdreg s5  }
0xaa: {  	[dreg:$0x4] =	wrdreg $0xC0  }
0xab: {  	_ =	task [dreg:s7], $0x5FFFF  }
0xac: {  	[dreg:$0x1] =	wrdreg $0xFFFFFFFF  }
0xad: {  	[dreg:$0x0] =	wrdreg $0x60  }
0xae: {  	[dreg:$0x2] =	wrdreg s24  }
0xaf: {  	[dreg:$0x3] =	wrdreg s2  }
0xb0: {  	[dreg:$0x4] =	wrdreg $0xEF100  }
0xb1: {  	[dreg:$0x5] =	wrdreg $0x9  }
0xb2: {  	_ =	task.clear_ibuf [dreg:s7], $0x6FFFF;
	_ =	strace $0x90000049  }
0xb3: {  	s29 =	simm.s32 $0x9;
	_ =	strace $0x8000004B  }
0xb4: {  	_ =	swait.ge [sflag:s29], $0x1  }
0xb5: {  	[sflag:s29] =	ssyncadd.s32 $0xFFFFFFFF  }
0xb6: {  	_ =	strace $0x9000004B  }
0xb7: {  	_ =	sfence  }
0xb8: {  	s30 =	sld [smem:$0x0];
	_ =	sdelay $0x2  }
0xb9: {  	s31 =	sshll.u32 s1, $0xD;
	s1 =	sshrl.u32 s1, $0x2  }
0xba: {  	s3 =	sand.u32 $0x4000, s31;
	s1 =	sadd.s32 s1, s30  }
0xbb: {  	s0 =	sor.u32 s3, s0;
	s1 =	sshll.u32 s1, $0x11  }
0xbc: {  	s0 =	sor.u32 s1, s0  }
0xbd: {  	s0 =	sadd.s32 $0x8F2B, s0  }
0xbe: {  	[sflag:s0] =	ssyncadd.remote.s32 $0x1  }
0xbf: {  	_ =	sfence.sel $0xFFFF  }
0xc0: {  	[dreg:$0x0] =	wrdreg $0xFFFFFFFF;
	(pc) =	sbr.abs _section_cstart, $3  }
0xc1: {  	[dreg:$0x1] =	wrdreg $0xFFFFFFFF  }
0xc2: {  	_ =	task.clear_ibuf [dreg:s7], $0x2FFFF;
	_ =	strace $0x9FFFFFFF  }
0xc3: {  	(tm) =	ssettm $0x7FFFFFFF  }
tec
execute0_lowered:
.L_overlay_start_1:
0x0: {  	(tag) =	ssettag $0x1  }
0x1: {  	s0 =	rddreg [dreg:$0x0]  }
0x2: {  	s1 =	rddreg [dreg:$0x1]  }
0x3: {  	s2 =	rddreg [dreg:$0x2];
	s3 =	simm.s32 $0x0;
	s6 =	srdreg.scid  }
0x4: {  	s30 =	stileid.u32;
	s14 =	simm.s32 $0x80;
	s15 =	simm.s32 $0x100  }
0x5: {  	s16 =	simm.s32 $0x2100;
	s17 =	simm.s32 $0x2900;
	s18 =	simm.s32 $0x1  }
0x6: {  	s19 =	simm.s32 $0x2;
	s20 =	simm.s32 $0x5100;
	s21 =	simm.s32 $0x3100  }
0x7: {  	s23 =	simm.s32 $0x0;
	[smem:$0x7FF] =	sst s3;
	s4 =	sadd.s32 $0xC2800, s0  }
0x8: {  	s5 =	sadd.s32 $0x20800, s0;
	s7 =	sadd.s32 $0xC400, s0;
	s9 =	sand.u32 $0x1, s6  }
0x9: {  	s8 =	sadd.s32 $0x16600, s0;
	s12 =	smul.u32 $0x9E00, s30;
	_ =	strace $0x8000004A  }
0xa: {  	s10 =	smul.u32 $0x13C00, s9;
	s11 =	ssub.s32 $0x2, s9;
	s9 =	sshll.u32 s9, $0x4  }
0xb: {  	s31 =	sshrl.u32 s11, $0x1;
	s13 =	sor.u32 s30, s9;
	s9 =	sadd.s32 s12, s2  }
0xc: {  	v1 =	vlaneseq.u32;
	s22 =	sshrl.u32 s12, $0x3;
	s12 =	simm.s32 $0x5110;
	s0 =	sadd.s32 s10, s0  }
0xd: {  	v0 =	vimm.f32 $0.0e+00;
	v1 =	vshrl.u32 v1, $0x3;
	s11 =	ssub.s32 s11, s31;
	s10 =	smul.u32 $0x2880, s13;
	s0 =	sadd.s32 $0xD6400, s0  }
0xe: {  	v2 =	vor.u32 $0x2, v1;
	v3 =	vor.u32 $0x4, v1;
	v4 =	vor.u32 $0x6, v1;
	s13 =	simm.s32 $0x3;
	s11 =	smax.u32 s11, $0x1;
	s22 =	sadd.s32 s22, s0  }
.LBB2_1:
0xf: {  	s25 =	simm.s32 $0x100;
	s24 =	simm.s32 $0x0  }
.LBB2_2:
0x10: {  	p0 =	sne.s32 s25, $0x27700;
	[tilespmem:s24+$0x5140] =	vst v0;
	s0 =	smov.u32 s25;
	s25 =	sadd.s32 $0x100, s25  }
.Ltmp0:
0x11: {  	[tilespmem:s24+$0x5130] =	vst v0;
	(pc) =	sbr.rel @p0 .LBB2_2-.Ltmp0, $3  }
0x12: {  	[tilespmem:s24+$0x5110] =	vst v0  }
0x13: {  	[tilespmem:s24+$0x5120] =	vst v0;
	_ =	sdelay $0x1  }
0x14: {  	s24 =	sshra.s32 s0, $0x2  }
0x15: {  	[tilespmem:s24+$0x5140] =	vst v0  }
0x16: {  	[tilespmem:s24+$0x5130] =	vst v0  }
0x17: {  	[tilespmem:s24+$0x5110] =	vst v0  }
0x18: {  	[tilespmem:s24+$0x5120] =	vst v0  }
0x19: {  	[spmem:s9] =	stream.linear.scatter [tilespmem:s12], [sflag:$0x3], $0x9E00, $0x38;
	[tilespmem:$0x18D10] =	vst v63  }
0x1a: {  	_ =	swait.ge [sflag:s13], $0x9E00  }
0x1b: {  	[sflag:s13] =	ssyncset.done $0x0  }
0x1c: {  	[sflag:s13] =	ssyncadd.s32 $0xFFFF6200  }
0x1d: {  	s24 =	simm.s32 $0x0;
	s25 =	simm.s32 $0x0;
	[bflag:$0x0] =	sbarrier.arrive $0xFFFF  }
.LBB2_4:
0x1e: {  	s0 =	sshll.u32 s25, $0x7  }
0x1f: {  	s0 =	sadd.s32 s10, s0  }
0x20: {  	s26 =	sshrl.u32 s0, $0x3  }
0x21: {  	s28 =	sadd.s32 s7, s26  }
0x22: {  	[tilespmem:s24], [sflag:$0x3] =	stream.linear.gather [hbm4b:s28+s24], $0x80, $0x38;
	[tilespmem:$0x18D10] =	vst v63  }
0x23: {  	_ =	swait.ge [sflag:s13], $0x80  }
0x24: {  	[sflag:s13] =	ssyncset.done $0x0  }
0x25: {  	s26 =	sadd.s32 s8, s26;
	[sflag:s13] =	ssyncadd.s32 $0xFFFFFF80  }
0x26: {  	[tilespmem:s14], [sflag:$0x3] =	stream.linear.gather [hbm4b:s26+s24], $0x80, $0x38;
	[tilespmem:$0x18D10] =	vst v63  }
0x27: {  	_ =	swait.ge [sflag:s13], $0x80  }
0x28: {  	[sflag:s13] =	ssyncset.done $0x0  }
0x29: {  	[sflag:s13] =	ssyncadd.s32 $0xFFFFFF80  }
0x2a: {  	[tilespmem:s15], [sflag:$0x1] =	stream.indirect.gather [hbm4b:s4+s14], $0x40, s24, s14, $0xb8;
	[tilespmem:$0x18D10] =	vst v63  }
0x2b: {  	s0 =	sshll.u32 s0, $0x1  }
0x2c: {  	[tilespmem:s16], [sflag:$0x2] =	stream.indirect.gather [hbm4b:s1+s14], $0x10, s14, s14, $0xb8;
	[tilespmem:$0x18D10] =	vst v63  }
0x2d: {  	s0 =	sadd.s32 s5, s0  }
0x2e: {  	[tilespmem:s17], [sflag:$0x3] =	stream.linear.gather [hbm4b:s0+s24], $0x800, $0x38;
	[tilespmem:$0x18D10] =	vst v63  }
0x2f: {  	_ =	swait.ge [sflag:s13], $0x800  }
0x30: {  	[sflag:s13] =	ssyncset.done $0x0  }
0x31: {  	[sflag:s13] =	ssyncadd.s32 $0xFFFFF800  }
0x32: {  	_ =	swait.ge [sflag:s18], $0x2000  }
0x33: {  	[sflag:s18] =	ssyncset.done $0x0  }
0x34: {  	[sflag:s18] =	ssyncadd.s32 $0xFFFFE000  }
0x35: {  	_ =	swait.ge [sflag:s19], $0x800  }
0x36: {  	[sflag:s19] =	ssyncset.done $0x0  }
0x37: {  	s26 =	simm.s32 $0x0;
	[sflag:s19] =	ssyncadd.s32 $0xFFFFF800  }
0x38: {  	v5 =	vld [tilespmem:s26+$0x2100];
	_ =	sdelay $0x4  }
0x39: {  	(erf) = vrcp.f32 v5;
	_ =	sdelay $0x4  }
0x3a: {  	v5 =	vld [tilespmem:s26+$0x2900];
	_ =	sdelay $0x3  }
0x3b: {  	v6 =	vpop (erf)  }
0x3c: {  	v5 =	vmul.f32 v6, v5;
	_ =	sdelay $0x1  }
0x3d: {  	[tilespmem:$0x5100] =	vst v5  }
0x3e: {  	s26 =	simm.s32 $0x120;
	v5 =	vld.idx.msk [tilespmem:v1+s20+$0x0], $0xffff  }
0x3f: {  	v6 =	vld [tilespmem:s26+$0xFFFFFFE0];
	_ =	sdelay $0x4  }
0x40: {  	v5 =	vmul.f32 v6, v5  }
0x41: {  	s29 =	simm.s32 $0x3120  }
0x42: {  	[tilespmem:s29+$0xFFFFFFE0] =	vst v5  }
0x43: {  	v5 =	vld.idx.msk [tilespmem:v2+s20+$0x0], $0xffff  }
0x44: {  	v6 =	vld [tilespmem:s26+$0xFFFFFFF0];
	_ =	sdelay $0x4  }
0x45: {  	v5 =	vmul.f32 v6, v5;
	_ =	sdelay $0x1  }
0x46: {  	[tilespmem:s29+$0xFFFFFFF0] =	vst v5  }
0x47: {  	v5 =	vld.idx.msk [tilespmem:v3+s20+$0x0], $0xffff  }
0x48: {  	v6 =	vld [tilespmem:s26+$0x0];
	_ =	sdelay $0x4  }
0x49: {  	v5 =	vmul.f32 v6, v5;
	_ =	sdelay $0x1  }
0x4a: {  	[tilespmem:s29+$0x0] =	vst v5  }
0x4b: {  	v5 =	vld.idx.msk [tilespmem:v4+s20+$0x0], $0xffff  }
0x4c: {  	v6 =	vld [tilespmem:s26+$0x10];
	_ =	sdelay $0x4  }
0x4d: {  	s30 =	simm.s32 $0x40;
	s31 =	simm.s32 $0x80;
	s28 =	simm.s32 $0x3160;
	v5 =	vmul.f32 v6, v5  }
.LBB2_5:
0x4e: {  	s6 =	sshra.s32 s30, $0x2;
	s26 =	sadd.s32 $0x40, s26  }
0x4f: {  	[tilespmem:s29+$0x10] =	vst v5;
	s30 =	smov.u32 s31;
	s0 =	sadd.s32 $0x40, s31;
	s29 =	smov.u32 s28  }
0x50: {  	p0 =	sne.s32 s31, $0x1FC0;
	v5 =	vld [tilespmem:s6+$0x2100];
	_ =	sdelay $0x4  }
0x51: {  	(erf) = vrcp.f32 v5;
	_ =	sdelay $0x4  }
0x52: {  	v5 =	vld [tilespmem:s6+$0x2900];
	_ =	sdelay $0x3  }
0x53: {  	v6 =	vpop (erf)  }
0x54: {  	v5 =	vmul.f32 v6, v5;
	_ =	sdelay $0x1  }
0x55: {  	[tilespmem:$0x5100] =	vst v5  }
0x56: {  	v5 =	vld.idx.msk [tilespmem:v1+s20+$0x0], $0xffff  }
0x57: {  	v6 =	vld [tilespmem:s26+$0xFFFFFFE0];
	_ =	sdelay $0x4  }
0x58: {  	v5 =	vmul.f32 v6, v5;
	_ =	sdelay $0x1  }
0x59: {  	[tilespmem:s28+$0xFFFFFFE0] =	vst v5  }
0x5a: {  	v5 =	vld.idx.msk [tilespmem:v2+s20+$0x0], $0xffff  }
0x5b: {  	v6 =	vld [tilespmem:s26+$0xFFFFFFF0];
	_ =	sdelay $0x4  }
0x5c: {  	v5 =	vmul.f32 v6, v5;
	_ =	sdelay $0x1  }
0x5d: {  	[tilespmem:s28+$0xFFFFFFF0] =	vst v5  }
0x5e: {  	v5 =	vld.idx.msk [tilespmem:v3+s20+$0x0], $0xffff  }
0x5f: {  	v6 =	vld [tilespmem:s26+$0x0];
	_ =	sdelay $0x4  }
0x60: {  	v5 =	vmul.f32 v6, v5;
	_ =	sdelay $0x1  }
0x61: {  	[tilespmem:s28+$0x0] =	vst v5  }
0x62: {  	v5 =	vld.idx.msk [tilespmem:v4+s20+$0x0], $0xffff  }
0x63: {  	v6 =	vld [tilespmem:s26+$0x10];
	_ =	sdelay $0x1  }
.Ltmp1:
0x64: {  	(pc) =	sbr.rel @p0 .LBB2_5-.Ltmp1, $3  }
0x65: {  	_ =	sdelay $0x1  }
0x66: {  	v5 =	vmul.f32 v6, v5  }
0x67: {  	s31 =	smov.u32 s0;
	s28 =	sadd.s32 $0x40, s28  }
0x68: {  	s0 =	sshra.s32 s30, $0x2;
	[tilespmem:s29+$0x10] =	vst v5  }
0x69: {  	v5 =	vld [tilespmem:s0+$0x2100];
	_ =	sdelay $0x4  }
0x6a: {  	(erf) = vrcp.f32 v5;
	_ =	sdelay $0x4  }
0x6b: {  	v5 =	vld [tilespmem:s0+$0x2900];
	_ =	sdelay $0x3  }
0x6c: {  	v6 =	vpop (erf)  }
0x6d: {  	v5 =	vmul.f32 v6, v5;
	_ =	sdelay $0x1  }
0x6e: {  	[tilespmem:$0x5100] =	vst v5  }
0x6f: {  	s31 =	sadd.s32 $0x40, s26;
	v5 =	vld.idx.msk [tilespmem:v1+s20+$0x0], $0xffff  }
0x70: {  	v6 =	vld [tilespmem:s31+$0xFFFFFFE0];
	_ =	sdelay $0x4  }
0x71: {  	v5 =	vmul.f32 v6, v5;
	_ =	sdelay $0x1  }
0x72: {  	[tilespmem:s28+$0xFFFFFFE0] =	vst v5  }
0x73: {  	v5 =	vld.idx.msk [tilespmem:v2+s20+$0x0], $0xffff  }
0x74: {  	v6 =	vld [tilespmem:s31+$0xFFFFFFF0];
	_ =	sdelay $0x4  }
0x75: {  	v5 =	vmul.f32 v6, v5;
	_ =	sdelay $0x1  }
0x76: {  	[tilespmem:s28+$0xFFFFFFF0] =	vst v5  }
0x77: {  	v5 =	vld.idx.msk [tilespmem:v3+s20+$0x0], $0xffff  }
0x78: {  	v6 =	vld [tilespmem:s31+$0x0];
	_ =	sdelay $0x4  }
0x79: {  	v5 =	vmul.f32 v6, v5;
	_ =	sdelay $0x1  }
0x7a: {  	[tilespmem:s28+$0x0] =	vst v5  }
0x7b: {  	v5 =	vld.idx.msk [tilespmem:v4+s20+$0x0], $0xffff  }
0x7c: {  	v6 =	vld [tilespmem:s31+$0x10];
	_ =	sdelay $0x4  }
0x7d: {  	s25 =	sadd.s32 $0x1, s25;
	v5 =	vmul.f32 v6, v5  }
0x7e: {  	p0 =	sne.s32 s25, $0x51  }
.Ltmp2:
0x7f: {  	[tilespmem:s28+$0x10] =	vst v5;
	(pc) =	sbr.rel @p0 .LBB2_4-.Ltmp2, $4  }
0x80: {  	[spmem:s2] =	stream.indirect.scatter.add.f32 [tilespmem:s21], [sflag:$0x3], $0x40, s14, s14, $0xb8;
	[tilespmem:$0x18D10] =	vst v63  }
0x81: {  	_ =	swait.ge [sflag:s13], $0x2000  }
0x82: {  	[sflag:s13] =	ssyncset.done $0x0  }
0x83: {  	[sflag:s13] =	ssyncadd.s32 $0xFFFFE000  }
0x84: {  	[bflag:$0x0] =	sbarrier.arrive $0xFFFF  }
0x85: {  	[tilespmem:s12], [sflag:$0x3] =	stream.linear.gather [spmem:s9], $0x9E00, $0x38;
	[tilespmem:$0x18D10] =	vst v63  }
0x86: {  	s23 =	sadd.s32 $0x1, s23;
	_ =	swait.ge [sflag:s13], $0x9E00  }
0x87: {  	p0 =	sne.s32 s23, s11;
	[sflag:s13] =	ssyncset.done $0x0  }
.Ltmp3:
0x88: {  	[sflag:s13] =	ssyncadd.s32 $0xFFFF6200;
	(pc) =	sbr.rel @p0 .LBB2_1-.Ltmp3, $4  }
0x89: {  	[hbm4b:s22+s3] =	stream.linear.scatter [tilespmem:s12], [sflag:$0x3], $0x9E00, $0x38;
	[tilespmem:$0x18D10] =	vst v63  }
0x8a: {  	_ =	swait.ge [sflag:s13], $0x9E00  }
0x8b: {  	[sflag:s13] =	ssyncset.done $0x0  }
0x8c: {  	[sflag:s13] =	ssyncadd.s32 $0xFFFF6200  }
0x8d: {  	_ =	sfence.sel $0x180000  }
0x8e: {  	[bflag:$0x0] =	sbarrier.arrive $0xFFFF  }
0x8f: {  	_ =	strace $0x9000004A  }
0x90: {  	s0 =	stileid.u32;
	[bflag:$0x2] =	sbarrier.arrive $0xFFFF  }
0x91: {  	p0 =	sne.s32 s0, $0x0;
	s0 =	rddreg [dreg:$0x3]  }
0x92: {  	s0 =	sadd.s32 @!p0 $0x100000, s0  }
0x93: {  	[sflag:s0] =	ssyncadd.tile.s32 @!p0 $0x1;
	_ =	shalt  }
.Lfunc_end2:
_tile_overlayer_lowered:
.L_overlay_start_2:
0x94: {  	(tag) =	ssettag $0x2  }
0x95: {  	s0 =	rddreg [dreg:$0x0];
	s2 =	stileid.u32  }
0x96: {  	s1 =	rddreg [dreg:$0x1];
	p0 =	sne.s32 s2, $0x0  }
0x97: {  	s3 =	rddreg [dreg:$0x2];
	[bflag:$0x3] =	sbarrier.arrive $0xFFFF;
	s2 =	simm.s32 @!p0 $0x1C03  }
0x98: {  	[timem:s3], [sflag:s2] =	dma.local @!p0 [hbm:s0], s1  }
0x99: {  	s0 =	simm.s32 @!p0 $0x3  }
0x9a: {  	_ =	swait.ge @!p0 [sflag:s0], s1  }
0x9b: {  	s1 =	ssub.s32 @!p0 $0x0, s1;
	[sflag:s0] =	ssyncset.done @!p0 $0x0  }
0x9c: {  	[sflag:s0] =	ssyncadd.s32 @!p0 s1  }
0x9d: {  	[bflag:$0x3] =	sbarrier.arrive $0xFFFF  }
0x9e: {  	_ =	shalt  }

// kernel: kernel.17.cloned.1.call-start
scs
__scs_entry_jumppad:
0x0: {  	(pc) =	sbr.rel $0x88, $3  }
0x1: {  	(tag) =	ssettag $0x0;
	lr =	simm.s32 $0x1  }
0x2: {  	[smem:$0x3F97] =	sst lr;
	_ =	strace $0xD0000000  }
0x3: {  	_ = 	snop  }
0x4: {  	_ = 	snop  }
0x5: {  	_ = 	snop  }
0x6: {  	_ = 	snop  }
0x7: {  	_ = 	snop  }
__scs_overlays_trampoline_lowered:
0x8: {  	[smem:$0x3FA6] =	sst s0  }
0x9: {  	[smem:$0x3FA7] =	sst s1  }
0xa: {  	[smem:$0x3FA8] =	sst s2  }
0xb: {  	[smem:$0x3FA9] =	sst s3  }
0xc: {  	[smem:$0x3FAA] =	sst s4  }
0xd: {  	[smem:$0x3FAB] =	sst s5  }
0xe: {  	[smem:$0x3FAC] =	sst s6  }
0xf: {  	[smem:$0x3FAD] =	sst s7  }
0x10: {  	[smem:$0x3FAE] =	sst s8  }
0x11: {  	[smem:$0x3FAF] =	sst s9;
	s0 =	simm.s32 @!p0 $0x0  }
0x12: {  	s1 =	sld [smem:$0x3F95];
	s0 =	simm.s32 @p0 $0x1  }
0x13: {  	[smem:$0x3FB0] =	sst s0;
	s0 =	simm.s32 @!p1 $0x0  }
0x14: {  	s2 =	sld [smem:$0x3F94];
	s0 =	simm.s32 @p1 $0x1  }
0x15: {  	[smem:$0x3FB1] =	sst s0;
	s0 =	simm.s32 @!p2 $0x0  }
0x16: {  	s3 =	sld [smem:$0x3FDB];
	s0 =	simm.s32 @p2 $0x1  }
0x17: {  	s4 =	simm.s32 $0x1BF5;
	[smem:$0x3FB3] =	sst s0  }
0x18: {  	s0 =	sld [smem:$0x3F96];
	_ =	swait.ge [sflag:s4], $0x0  }
0x19: {  	s7 =	sld [smem:$0x3F97]  }
0x1a: {  	s8 =	sadd.s32 $0xFFFFE003, lr  }
0x1b: {  	s9 =	sadd.s32 $0xFFFFFEF7, lr;
	s5 =	simm.s32 $0xFFFFFFFF;
	p2 =	slt.u32 s8, $0xFFFFF086  }
0x1c: {  	p1 =	slt.u32 s9, $0xF7A;
	s5 =	simm.s32 @!p2 $0x0  }
0x1d: {  	s5 =	simm.s32 @p1 $0x1;
	p0 =	seq.s32 s7, s2  }
0x1e: {  	s7 =	smul.u32 @!p0 $0xF7A, s2;
	p2 =	seq.s32 @!p0 s5, $0x0  }
0x1f: {  	s9 =	smul.u32 $0xF7A, s1;
	s8 =	simm.s32 @!p0 $0x1BF5;
	p2 =	por !p2, p0  }
0x20: {  	[sflag:s8] =	ssyncset.s32 @!p0 $0xFFFFF086;
	s6 =	sadd.s32 @!p0 s3, s7;
	s7 =	simm.s32 @!p0 $0x108  }
0x21: {  	s3 =	sadd.s32 s3, s9;
	s6 =	sadd.s32 @!p0 $0x88, s6;
	s7 =	simm.s32 @p2 $0x1082  }
0x22: {  	[simem:s7], [sflag:s8] =	dma.local @!p0 [hbm:s6], $0xF7A  }
0x23: {  	s9 =	sor.u32 $0xD0000000, s2;
	s6 =	simm.s32 $0x108;
	_ =	swait.ge @!p0 [sflag:s8], $0x0  }
0x24: {  	s3 =	sadd.s32 $0x88, s3;
	s6 =	simm.s32 @!p1 $0x1082;
	[sflag:s4] =	ssyncset.s32 $0xFFFFF086  }
0x25: {  	[simem:s6], [sflag:s4] =	dma.local [hbm:s3], $0xF7A  }
0x26: {  	[smem:$0x3F97] =	sst s1;
	(tag) =	ssettag s2;
	_ =	strace s9  }
0x27: {  	s1 =	sld [smem:$0x3FA7]  }
0x28: {  	s2 =	sld [smem:$0x3FA8]  }
0x29: {  	s4 =	sld [smem:$0x3FAA]  }
0x2a: {  	p0 =	seq.s32 s5, $0x0;
	s5 =	sld [smem:$0x3FAB]  }
0x2b: {  	s6 =	sld [smem:$0x3FAC]  }
0x2c: {  	s7 =	sld [smem:$0x3FAD]  }
0x2d: {  	s3 =	simm.s32 $0x108;
	s8 =	sld [smem:$0x3FAE]  }
0x2e: {  	s3 =	simm.s32 @!p0 $0x1082;
	s9 =	sld [smem:$0x3FAF]  }
0x2f: {  	lr =	sadd.s32 s0, s3;
	s0 =	sld [smem:$0x3FA6]  }
0x30: {  	s3 =	sld [smem:$0x3FA9]  }
0x31: {  	[smem:$0x3FB2] =	sst s10  }
0x32: {  	s10 =	sld [smem:$0x3FB0];
	_ =	sdelay $0x3  }
0x33: {  	p0 =	seq.s32 s10, $0x1;
	s10 =	sld [smem:$0x3FB2];
	_ =	sdelay $0x3  }
0x34: {  	[smem:$0x3FB2] =	sst s10  }
0x35: {  	s10 =	sld [smem:$0x3FB1];
	_ =	sdelay $0x3  }
0x36: {  	p1 =	seq.s32 s10, $0x1;
	s10 =	sld [smem:$0x3FB2];
	_ =	sdelay $0x3  }
0x37: {  	[smem:$0x3FB2] =	sst s10  }
0x38: {  	s10 =	sld [smem:$0x3FB3]  }
0x39: {  	_ = 	snop;
	(pc) =	sbr.ind lr, $3  }
0x3a: {  	_ = 	snop  }
0x3b: {  	_ = 	snop  }
0x3c: {  	p2 =	seq.s32 s10, $0x1;
	s10 =	sld [smem:$0x3FB2]  }
0x3d: {  	_ =	shalt  }
0x3e: {  	_ =	shalt  }
0x3f: {  	_ =	shalt  }
0x40: {  	_ =	shalt  }
0x41: {  	_ =	shalt  }
0x42: {  	_ =	shalt  }
0x43: {  	_ =	shalt  }
0x44: {  	_ =	shalt  }
0x45: {  	_ =	shalt  }
0x46: {  	_ =	shalt  }
0x47: {  	_ =	shalt  }
0x48: {  	_ =	shalt  }
0x49: {  	_ =	shalt  }
0x4a: {  	_ =	shalt  }
0x4b: {  	_ =	shalt  }
0x4c: {  	_ =	shalt  }
0x4d: {  	_ =	shalt  }
0x4e: {  	_ =	shalt  }
0x4f: {  	_ =	shalt  }
0x50: {  	_ =	shalt  }
0x51: {  	_ =	shalt  }
0x52: {  	_ =	shalt  }
0x53: {  	_ =	shalt  }
0x54: {  	_ =	shalt  }
0x55: {  	_ =	shalt  }
0x56: {  	_ =	shalt  }
0x57: {  	_ =	shalt  }
0x58: {  	_ =	shalt  }
0x59: {  	_ =	shalt  }
0x5a: {  	_ =	shalt  }
0x5b: {  	_ =	shalt  }
0x5c: {  	_ =	shalt  }
0x5d: {  	_ =	shalt  }
0x5e: {  	_ =	shalt  }
0x5f: {  	_ =	shalt  }
0x60: {  	_ =	shalt  }
0x61: {  	_ =	shalt  }
0x62: {  	_ =	shalt  }
0x63: {  	_ =	shalt  }
0x64: {  	_ =	shalt  }
0x65: {  	_ =	shalt  }
0x66: {  	_ =	shalt  }
0x67: {  	_ =	shalt  }
0x68: {  	_ =	shalt  }
0x69: {  	_ =	shalt  }
0x6a: {  	_ =	shalt  }
0x6b: {  	_ =	shalt  }
0x6c: {  	_ =	shalt  }
0x6d: {  	_ =	shalt  }
0x6e: {  	_ =	shalt  }
0x6f: {  	_ =	shalt  }
0x70: {  	_ =	shalt  }
0x71: {  	_ =	shalt  }
0x72: {  	_ =	shalt  }
0x73: {  	_ =	shalt  }
0x74: {  	_ =	shalt  }
0x75: {  	_ =	shalt  }
0x76: {  	_ =	shalt  }
0x77: {  	_ =	shalt  }
0x78: {  	_ =	shalt  }
0x79: {  	_ =	shalt  }
0x7a: {  	_ =	shalt  }
0x7b: {  	_ =	shalt  }
0x7c: {  	_ =	shalt  }
0x7d: {  	_ =	shalt  }
0x7e: {  	_ =	shalt  }
0x7f: {  	_ =	shalt  }
0x80: {  	_ =	shalt  }
0x81: {  	_ =	shalt  }
0x82: {  	_ =	shalt  }
0x83: {  	_ =	shalt  }
0x84: {  	_ =	shalt  }
0x85: {  	_ =	shalt  }
0x86: {  	_ =	shalt  }
0x87: {  	_ =	shalt  }
.Lfunc_end0:
.L_simem_size_0:
called_computation.2_lowered:
.L_overlay_start_0:
0x88: {  	s2 =	sld [smem:$0x3FD9]  }
0x89: {  	s3 =	sld [smem:$0x3FFE];
	_ =	sdelay $0x1  }
0x8a: {  	s1 =	srdreg.scid  }
0x8b: {  	s0 =	sand.u32 $0x1, s1  }
0x8c: {  	s16 =	sshll.u32 s0, $0xA;
	s2 =	sadd.s32 s3, s2  }
0x8d: {  	s2 =	sadd.s32 s2, s16  }
0x8e: {  	[smem:$0x3FBE] =	sst s2  }
0x8f: {  	_ = 	snop  }
0x90: {  	(tm) =	ssettm $0x1  }
0x91: {  	s17 =	sld [smem:$0x3FFB];
	_ =	sdelay $0x3  }
0x92: {  	_ =	strace s17  }
0x93: {  	s2 =	sld [smem:$0x3FFC];
	_ =	sdelay $0x3  }
0x94: {  	_ =	strace s2  }
0x95: {  	s2 =	sld [smem:$0x3FFD];
	_ =	sdelay $0x3  }
0x96: {  	_ =	strace s2  }
0x97: {  	_ =	strace $0x8FFFFFFF  }
0x98: {  	s18 =	sld [smem:$0x3FDB];
	_ =	sdelay $0x1  }
0x99: {  	s19 =	simm.s32 $_scs_section_size  }
0x9a: {  	s4 =	simm.s32 $_size__tile_overlayer_lowered;
	s5 =	simm.s32 $_tile_overlayer_lowered  }
0x9b: {  	s22 =	simm.s32 $0x1BFF;
	s21 =	sshll.u32 s5, $0x1;
	s2 =	sadd.s32 s19, s18  }
0x9c: {  	s6 =	simm.s32 $0x0;
	s20 =	sshll.u32 s4, $0x1;
	s4 =	sadd.s32 s21, s2  }
0x9d: {  	[timem:s6], [sflag:s22] =	dma.local [hbm:s4], s20  }
0x9e: {  	_ =	swait.ge [sflag:s22], s20  }
0x9f: {  	s3 =	ssub.s32 $0x0, s20;
	[sflag:s22] =	ssyncset.done $0x0  }
0xa0: {  	[sflag:s22] =	ssyncadd.s32 s3;
	_ =	sdelay $0x1  }
0xa1: {  	s23 =	simm.s32 $0x1B8B  }
0xa2: {  	_ =	swait.ge [sflag:s23], $0x1  }
0xa3: {  	[sflag:s23] =	ssyncset.done $0x0  }
0xa4: {  	s25 =	simm.s32 $0x1B8E;
	s24 =	sld [smem:$0x3FFE];
	[sflag:s23] =	ssyncadd.s32 $0xFFFFFFFF  }
0xa5: {  	s26 =	simm.s32 $execute0_lowered;
	[smem:$0x3FD2] =	sst s25  }
0xa6: {  	s4 =	sshll.u32 s26, $0x1;
	_ =	strace $0x8000004C;
	[dreg:$0x1] =	wrdreg $0xFFFFFFFF  }
0xa7: {  	s28 =	simm.s32 $_size_execute0_lowered;
	s2 =	sadd.s32 s2, s4;
	[dreg:$0x0] =	wrdreg $0x0  }
0xa8: {  	s4 =	sshll.u32 s28, $0x1;
	[dreg:$0x2] =	wrdreg s2  }
0xa9: {  	[dreg:$0x3] =	wrdreg s4  }
0xaa: {  	[dreg:$0x4] =	wrdreg $0xC0  }
0xab: {  	_ =	task [dreg:s6], $0x5FFFF  }
0xac: {  	[dreg:$0x1] =	wrdreg $0xFFFFFFFF  }
0xad: {  	[dreg:$0x0] =	wrdreg $0x60  }
0xae: {  	[dreg:$0x2] =	wrdreg s24  }
0xaf: {  	[dreg:$0x3] =	wrdreg $0x40800  }
0xb0: {  	[dreg:$0x4] =	wrdreg $0x9  }
0xb1: {  	_ =	task.clear_ibuf [dreg:s6], $0x5FFFF;
	_ =	strace $0x9000004C  }
0xb2: {  	s29 =	simm.s32 $0x9;
	_ =	strace $0x8000004E  }
0xb3: {  	_ =	swait.ge [sflag:s29], $0x1  }
0xb4: {  	[sflag:s29] =	ssyncadd.s32 $0xFFFFFFFF  }
0xb5: {  	_ =	strace $0x9000004E  }
0xb6: {  	_ =	sfence  }
0xb7: {  	s30 =	sld [smem:$0x0];
	_ =	sdelay $0x2  }
0xb8: {  	s31 =	sshll.u32 s1, $0xD;
	s1 =	sshrl.u32 s1, $0x2  }
0xb9: {  	s3 =	sand.u32 $0x4000, s31;
	s1 =	sadd.s32 s1, s30  }
0xba: {  	s0 =	sor.u32 s3, s0;
	s1 =	sshll.u32 s1, $0x11  }
0xbb: {  	s0 =	sor.u32 s1, s0  }
0xbc: {  	s0 =	sadd.s32 $0x8F2B, s0  }
0xbd: {  	[sflag:s0] =	ssyncadd.remote.s32 $0x1  }
0xbe: {  	_ =	sfence.sel $0xFFFF  }
0xbf: {  	[dreg:$0x0] =	wrdreg $0xFFFFFFFF;
	(pc) =	sbr.abs _section_cstart, $3  }
0xc0: {  	[dreg:$0x1] =	wrdreg $0xFFFFFFFF  }
0xc1: {  	_ =	task.clear_ibuf [dreg:s6], $0x2FFFF;
	_ =	strace $0x9FFFFFFF  }
0xc2: {  	(tm) =	ssettm $0x7FFFFFFF  }
0xc3: {  	_ =	shalt  }
tec
execute0_lowered:
.L_overlay_start_1:
0x0: {  	(tag) =	ssettag $0x1  }
0x1: {  	s9 =	rddreg [dreg:$0x0]  }
0x2: {  	s1 =	rddreg [dreg:$0x1]  }
0x3: {  	s0 =	rddreg [dreg:$0x2]  }
0x4: {  	s2 =	simm.s32 $0x0;
	s6 =	srdreg.scid;
	s14 =	simm.s32 $0x80  }
0x5: {  	s15 =	simm.s32 $0x1;
	s16 =	simm.s32 $0x2;
	s17 =	simm.s32 $0x900  }
0x6: {  	v0 =	vimm.s32 $0x3210FEDC;
	s18 =	simm.s32 $0x1100;
	[smem:$0x7FF] =	sst s2;
	s3 =	sadd.s32 $0x2400, s9  }
0x7: {  	v1 =	vimm.s32 $0xBA987654;
	s4 =	sadd.s32 $0x7400, s9;
	s5 =	sadd.s32 $0xC400, s9;
	s7 =	sadd.s32 $0x16600, s9  }
0x8: {  	s10 =	sand.u32 $0x1, s6;
	s8 =	sadd.s32 $0x2A600, s9;
	s6 =	stileid.u32;
	v0 =	vunpack.c.l.s4.s8 v0;
	v1 =	vunpack.c.l.s4.s8 v1  }
0x9: {  	_ =	strace $0x8000004D;
	s11 =	smul.u32 $0x4F00, s10;
	s12 =	ssub.s32 $0x2, s10  }
0xa: {  	s10 =	sshll.u32 s10, $0x4;
	s13 =	smul.u32 $0x2780, s6;
	s31 =	sshrl.u32 s12, $0x1;
	v0 =	vunpack.c.0.s8.s32 v0;
	v1 =	vunpack.c.0.s8.s32 v1  }
0xb: {  	s10 =	sor.u32 s6, s10;
	s11 =	sadd.s32 s11, s9;
	s12 =	ssub.s32 s12, s31  }
0xc: {  	s9 =	sadd.s32 s13, s1;
	s10 =	smul.u32 $0x2880, s10;
	s20 =	sshrl.u32 s13, $0x3;
	v1 =	vcombine.low v1, v0  }
0xd: {  	vm0 =	vcmask $0xF00;
	s13 =	simm.s32 $0x3;
	s19 =	sadd.s32 $0x20800, s11;
	s11 =	smax.u32 s12, $0x1;
	v0 =	vimm.f32 $0.0e+00  }
0xe: {  	s12 =	simm.s32 $0x1900;
	v2 =	vsel vm0, $0x3F800000, v0;
	s19 =	sadd.s32 s20, s19;
	s20 =	simm.s32 $0x0;
	v1 =	vand.u32 $0xF, v1  }
.LBB2_1:
0xf: {  	s21 =	simm.s32 $0x40;
	s22 =	simm.s32 $0x0  }
.LBB2_2:
0x10: {  	p0 =	sne.s32 s21, $0x9DC0;
	[tilespmem:s22+$0x1900] =	vst v0;
	s22 =	smov.u32 s21;
	s21 =	sadd.s32 $0x40, s21  }
.Ltmp0:
0x11: {  	(pc) =	sbr.rel @p0 .LBB2_2-.Ltmp0, $2  }
0x12: {  	_ =	sdelay $0x2  }
0x13: {  	s22 =	sshra.s32 s22, $0x2  }
0x14: {  	[tilespmem:s22+$0x1900] =	vst v0  }
0x15: {  	[spmem:s9] =	stream.linear.scatter [tilespmem:s12], [sflag:$0x3], $0x2780, $0x38;
	[tilespmem:$0x6800] =	vst v63  }
0x16: {  	_ =	swait.ge [sflag:s13], $0x2780  }
0x17: {  	[sflag:s13] =	ssyncset.done $0x0  }
0x18: {  	[sflag:s13] =	ssyncadd.s32 $0xFFFFD880  }
0x19: {  	s21 =	simm.s32 $0x0;
	s22 =	simm.s32 $0x0;
	[bflag:$0x0] =	sbarrier.arrive $0xFFFF  }
.LBB2_4:
0x1a: {  	s23 =	sshll.u32 s22, $0x7  }
0x1b: {  	s23 =	sadd.s32 s10, s23  }
0x1c: {  	s24 =	sshrl.u32 s23, $0x3  }
0x1d: {  	s25 =	sadd.s32 s5, s24  }
0x1e: {  	[tilespmem:s21], [sflag:$0x3] =	stream.linear.gather [hbm4b:s25+s21], $0x80, $0x38;
	[tilespmem:$0x6800] =	vst v63  }
0x1f: {  	_ =	swait.ge [sflag:s13], $0x80  }
0x20: {  	[sflag:s13] =	ssyncset.done $0x0  }
0x21: {  	s24 =	sadd.s32 s7, s24;
	[sflag:s13] =	ssyncadd.s32 $0xFFFFFF80  }
0x22: {  	[tilespmem:s14], [sflag:$0x3] =	stream.linear.gather [hbm4b:s24+s21], $0x80, $0x38;
	[tilespmem:$0x6800] =	vst v63  }
0x23: {  	_ =	swait.ge [sflag:s13], $0x80  }
0x24: {  	[sflag:s13] =	ssyncset.done $0x0  }
0x25: {  	s24 =	simm.s32 $0x100;
	[sflag:s13] =	ssyncadd.s32 $0xFFFFFF80  }
0x26: {  	[tilespmem:s24], [sflag:$0x1] =	stream.indirect.gather [hbm4b:s3+s14], $0x10, s21, s14, $0xb8;
	[tilespmem:$0x6800] =	vst v63  }
0x27: {  	s31 =	simm.s32 $0x900  }
0x28: {  	[tilespmem:s31], [sflag:$0x2] =	stream.indirect.gather [hbm4b:s4+s14], $0x10, s14, s14, $0xb8;
	[tilespmem:$0x6800] =	vst v63  }
0x29: {  	_ =	swait.ge [sflag:s15], $0x800  }
0x2a: {  	[sflag:s15] =	ssyncset.done $0x0  }
0x2b: {  	[sflag:s15] =	ssyncadd.s32 $0xFFFFF800  }
0x2c: {  	_ =	swait.ge [sflag:s16], $0x800  }
0x2d: {  	[sflag:s16] =	ssyncset.done $0x0  }
0x2e: {  	[sflag:s16] =	ssyncadd.s32 $0xFFFFF800  }
0x2f: {  	s26 =	simm.s32 $0x0;
	v3 =	vld [tilespmem:s31+$0x0]  }
0x30: {  	v4 =	vor.u32 s26, v1;
	v5 =	vld [tilespmem:s24+$0x0];
	_ =	sdelay $0x4  }
0x31: {  	v4 =	vld.idx.msk [tilespmem:v4+s17+$0x0], $0xffff;
	v3 =	vadd.f32 v3, v5;
	_ =	sdelay $0x1  }
0x32: {  	v5 =	vmul.f32 $2.000000030e-01, v3;
	_ =	sdelay $0x1  }
0x33: {  	v3 =	vmax.f32 v3, v5  }
0x34: {  	v3 =	vsub.f32 v3, v4;
	_ =	sdelay $0x1  }
0x35: {  	v3 =	vmul.f32 $1.442695020e+00, v3;
	_ =	sdelay $0x1  }
0x36: {  	(erf) = vpow2.f32 v3;
	_ =	sdelay $0x8  }
0x37: {  	v3 =	vpop (erf)  }
0x38: {  	v3 =	vmul.f32 v2, v3  }
0x39: {  	s25 =	simm.s32 $0x1100  }
0x3a: {  	s29 =	simm.s32 $0x10;
	s28 =	simm.s32 $0x910;
	s26 =	simm.s32 $0x2;
	[tilespmem:s25+$0x0] =	vst v3  }
.LBB2_5:
0x3b: {  	p0 =	sne.s32 s26, $0x7F;
	v3 =	vld [tilespmem:s28+$0x0];
	v4 =	vor.u32 s29, v1;
	s24 =	sadd.s32 $0x10, s24  }
0x3c: {  	v5 =	vld [tilespmem:s24+$0x0];
	_ =	sdelay $0x3  }
0x3d: {  	v4 =	vld.idx.msk [tilespmem:v4+s17+$0x0], $0xffff  }
0x3e: {  	v3 =	vadd.f32 v3, v5;
	_ =	sdelay $0x1  }
0x3f: {  	v5 =	vmul.f32 $2.000000030e-01, v3;
	_ =	sdelay $0x1  }
0x40: {  	v3 =	vmax.f32 v3, v5  }
0x41: {  	v3 =	vsub.f32 v3, v4;
	_ =	sdelay $0x1  }
0x42: {  	v3 =	vmul.f32 $1.442695020e+00, v3;
	_ =	sdelay $0x1  }
0x43: {  	(erf) = vpow2.f32 v3;
	_ =	sdelay $0x7  }
.Ltmp1:
0x44: {  	(pc) =	sbr.rel @p0 .LBB2_5-.Ltmp1, $4  }
0x45: {  	v3 =	vpop (erf)  }
0x46: {  	v3 =	vmul.f32 v2, v3  }
0x47: {  	s25 =	sadd.s32 $0x10, s25  }
0x48: {  	s29 =	sshll.u32 s26, $0x4;
	s26 =	sadd.s32 $0x1, s26;
	s28 =	sadd.s32 $0x10, s28;
	[tilespmem:s25+$0x0] =	vst v3  }
0x49: {  	v3 =	vld [tilespmem:s28+$0x0];
	s24 =	sadd.s32 $0x10, s24  }
0x4a: {  	v4 =	vor.u32 s29, v1;
	v5 =	vld [tilespmem:s24+$0x0];
	_ =	sdelay $0x4  }
0x4b: {  	v4 =	vld.idx.msk [tilespmem:v4+s17+$0x0], $0xffff;
	v3 =	vadd.f32 v3, v5;
	_ =	sdelay $0x1  }
0x4c: {  	v5 =	vmul.f32 $2.000000030e-01, v3;
	_ =	sdelay $0x1  }
0x4d: {  	v3 =	vmax.f32 v3, v5  }
0x4e: {  	v3 =	vsub.f32 v3, v4;
	_ =	sdelay $0x1  }
0x4f: {  	v3 =	vmul.f32 $1.442695020e+00, v3;
	_ =	sdelay $0x1  }
0x50: {  	(erf) = vpow2.f32 v3;
	_ =	sdelay $0x8  }
0x51: {  	v3 =	vpop (erf)  }
0x52: {  	v3 =	vmul.f32 v2, v3  }
0x53: {  	s31 =	sadd.s32 $0x10, s25;
	s23 =	sshll.u32 s23, $0x1  }
0x54: {  	s23 =	sadd.s32 s8, s23;
	[tilespmem:s31+$0x0] =	vst v3  }
0x55: {  	[hbm4b:s23+s2] =	stream.linear.scatter [tilespmem:s18], [sflag:$0x3], $0x800, $0x38;
	[tilespmem:$0x6800] =	vst v63  }
0x56: {  	s22 =	sadd.s32 $0x1, s22;
	_ =	swait.ge [sflag:s13], $0x800  }
0x57: {  	p0 =	sne.s32 s22, $0x51;
	[sflag:s13] =	ssyncset.done $0x0  }
.Ltmp2:
0x58: {  	[sflag:s13] =	ssyncadd.s32 $0xFFFFF800;
	(pc) =	sbr.rel @p0 .LBB2_4-.Ltmp2, $4  }
0x59: {  	[spmem:s1] =	stream.indirect.scatter.add.f32 [tilespmem:s18], [sflag:$0x3], $0x10, s14, s14, $0xb8;
	[tilespmem:$0x6800] =	vst v63  }
0x5a: {  	_ =	swait.ge [sflag:s13], $0x800  }
0x5b: {  	[sflag:s13] =	ssyncset.done $0x0  }
0x5c: {  	[sflag:s13] =	ssyncadd.s32 $0xFFFFF800  }
0x5d: {  	[bflag:$0x0] =	sbarrier.arrive $0xFFFF  }
0x5e: {  	[tilespmem:s12], [sflag:$0x3] =	stream.linear.gather [spmem:s9], $0x2780, $0x38;
	[tilespmem:$0x6800] =	vst v63  }
0x5f: {  	s20 =	sadd.s32 $0x1, s20;
	_ =	swait.ge [sflag:s13], $0x2780  }
0x60: {  	p0 =	sne.s32 s20, s11;
	[sflag:s13] =	ssyncset.done $0x0  }
.Ltmp3:
0x61: {  	[sflag:s13] =	ssyncadd.s32 $0xFFFFD880;
	(pc) =	sbr.rel @p0 .LBB2_1-.Ltmp3, $4  }
0x62: {  	[hbm4b:s19+s2] =	stream.linear.scatter [tilespmem:s12], [sflag:$0x3], $0x2780, $0x38;
	[tilespmem:$0x6800] =	vst v63  }
0x63: {  	_ =	swait.ge [sflag:s13], $0x2780  }
0x64: {  	[sflag:s13] =	ssyncset.done $0x0  }
0x65: {  	[sflag:s13] =	ssyncadd.s32 $0xFFFFD880  }
0x66: {  	_ =	sfence.sel $0x180000  }
0x67: {  	[bflag:$0x0] =	sbarrier.arrive $0xFFFF  }
0x68: {  	p0 =	sne.s32 s6, $0x0;
	_ =	strace $0x9000004D  }
0x69: {  	s0 =	sadd.s32 @!p0 $0x100000, s0;
	[bflag:$0x2] =	sbarrier.arrive $0xFFFF  }
0x6a: {  	[sflag:s0] =	ssyncadd.tile.s32 @!p0 $0x1;
	_ =	shalt  }
.Lfunc_end2:
_tile_overlayer_lowered:
.L_overlay_start_2:
0x6b: {  	(tag) =	ssettag $0x2  }
0x6c: {  	s0 =	rddreg [dreg:$0x0];
	s2 =	stileid.u32  }
0x6d: {  	s1 =	rddreg [dreg:$0x1];
	p0 =	sne.s32 s2, $0x0  }
0x6e: {  	s3 =	rddreg [dreg:$0x2];
	[bflag:$0x3] =	sbarrier.arrive $0xFFFF;
	s2 =	simm.s32 @!p0 $0x1C03  }
0x6f: {  	[timem:s3], [sflag:s2] =	dma.local @!p0 [hbm:s0], s1  }
0x70: {  	s0 =	simm.s32 @!p0 $0x3  }
0x71: {  	_ =	swait.ge @!p0 [sflag:s0], s1  }
0x72: {  	s1 =	ssub.s32 @!p0 $0x0, s1;
	[sflag:s0] =	ssyncset.done @!p0 $0x0  }
0x73: {  	[sflag:s0] =	ssyncadd.s32 @!p0 s1  }
0x74: {  	[bflag:$0x3] =	sbarrier.arrive $0xFFFF  }
0x75: {  	_ =	shalt  }

// kernel: kernel.20.cloned.1.call-start
scs
__scs_entry_jumppad:
0x0: {  	(pc) =	sbr.rel $0x88, $3  }
0x1: {  	(tag) =	ssettag $0x0;
	lr =	simm.s32 $0x1  }
0x2: {  	[smem:$0x3F97] =	sst lr;
	_ =	strace $0xD0000000  }
0x3: {  	_ = 	snop  }
0x4: {  	_ = 	snop  }
0x5: {  	_ = 	snop  }
0x6: {  	_ = 	snop  }
0x7: {  	_ = 	snop  }
__scs_overlays_trampoline_lowered:
0x8: {  	[smem:$0x3FA6] =	sst s0  }
0x9: {  	[smem:$0x3FA7] =	sst s1  }
0xa: {  	[smem:$0x3FA8] =	sst s2  }
0xb: {  	[smem:$0x3FA9] =	sst s3  }
0xc: {  	[smem:$0x3FAA] =	sst s4  }
0xd: {  	[smem:$0x3FAB] =	sst s5  }
0xe: {  	[smem:$0x3FAC] =	sst s6  }
0xf: {  	[smem:$0x3FAD] =	sst s7  }
0x10: {  	[smem:$0x3FAE] =	sst s8  }
0x11: {  	[smem:$0x3FAF] =	sst s9;
	s0 =	simm.s32 @!p0 $0x0  }
0x12: {  	s1 =	sld [smem:$0x3F95];
	s0 =	simm.s32 @p0 $0x1  }
0x13: {  	[smem:$0x3FB0] =	sst s0;
	s0 =	simm.s32 @!p1 $0x0  }
0x14: {  	s2 =	sld [smem:$0x3F94];
	s0 =	simm.s32 @p1 $0x1  }
0x15: {  	[smem:$0x3FB1] =	sst s0;
	s0 =	simm.s32 @!p2 $0x0  }
0x16: {  	s3 =	sld [smem:$0x3FDB];
	s0 =	simm.s32 @p2 $0x1  }
0x17: {  	s4 =	simm.s32 $0x1BF5;
	[smem:$0x3FB3] =	sst s0  }
0x18: {  	s0 =	sld [smem:$0x3F96];
	_ =	swait.ge [sflag:s4], $0x0  }
0x19: {  	s7 =	sld [smem:$0x3F97]  }
0x1a: {  	s8 =	sadd.s32 $0xFFFFE003, lr  }
0x1b: {  	s9 =	sadd.s32 $0xFFFFFEF7, lr;
	s5 =	simm.s32 $0xFFFFFFFF;
	p2 =	slt.u32 s8, $0xFFFFF086  }
0x1c: {  	p1 =	slt.u32 s9, $0xF7A;
	s5 =	simm.s32 @!p2 $0x0  }
0x1d: {  	s5 =	simm.s32 @p1 $0x1;
	p0 =	seq.s32 s7, s2  }
0x1e: {  	s7 =	smul.u32 @!p0 $0xF7A, s2;
	p2 =	seq.s32 @!p0 s5, $0x0  }
0x1f: {  	s9 =	smul.u32 $0xF7A, s1;
	s8 =	simm.s32 @!p0 $0x1BF5;
	p2 =	por !p2, p0  }
0x20: {  	[sflag:s8] =	ssyncset.s32 @!p0 $0xFFFFF086;
	s6 =	sadd.s32 @!p0 s3, s7;
	s7 =	simm.s32 @!p0 $0x108  }
0x21: {  	s3 =	sadd.s32 s3, s9;
	s6 =	sadd.s32 @!p0 $0x88, s6;
	s7 =	simm.s32 @p2 $0x1082  }
0x22: {  	[simem:s7], [sflag:s8] =	dma.local @!p0 [hbm:s6], $0xF7A  }
0x23: {  	s9 =	sor.u32 $0xD0000000, s2;
	s6 =	simm.s32 $0x108;
	_ =	swait.ge @!p0 [sflag:s8], $0x0  }
0x24: {  	s3 =	sadd.s32 $0x88, s3;
	s6 =	simm.s32 @!p1 $0x1082;
	[sflag:s4] =	ssyncset.s32 $0xFFFFF086  }
0x25: {  	[simem:s6], [sflag:s4] =	dma.local [hbm:s3], $0xF7A  }
0x26: {  	[smem:$0x3F97] =	sst s1;
	(tag) =	ssettag s2;
	_ =	strace s9  }
0x27: {  	s1 =	sld [smem:$0x3FA7]  }
0x28: {  	s2 =	sld [smem:$0x3FA8]  }
0x29: {  	s4 =	sld [smem:$0x3FAA]  }
0x2a: {  	p0 =	seq.s32 s5, $0x0;
	s5 =	sld [smem:$0x3FAB]  }
0x2b: {  	s6 =	sld [smem:$0x3FAC]  }
0x2c: {  	s7 =	sld [smem:$0x3FAD]  }
0x2d: {  	s3 =	simm.s32 $0x108;
	s8 =	sld [smem:$0x3FAE]  }
0x2e: {  	s3 =	simm.s32 @!p0 $0x1082;
	s9 =	sld [smem:$0x3FAF]  }
0x2f: {  	lr =	sadd.s32 s0, s3;
	s0 =	sld [smem:$0x3FA6]  }
0x30: {  	s3 =	sld [smem:$0x3FA9]  }
0x31: {  	[smem:$0x3FB2] =	sst s10  }
0x32: {  	s10 =	sld [smem:$0x3FB0];
	_ =	sdelay $0x3  }
0x33: {  	p0 =	seq.s32 s10, $0x1;
	s10 =	sld [smem:$0x3FB2];
	_ =	sdelay $0x3  }
0x34: {  	[smem:$0x3FB2] =	sst s10  }
0x35: {  	s10 =	sld [smem:$0x3FB1];
	_ =	sdelay $0x3  }
0x36: {  	p1 =	seq.s32 s10, $0x1;
	s10 =	sld [smem:$0x3FB2];
	_ =	sdelay $0x3  }
0x37: {  	[smem:$0x3FB2] =	sst s10  }
0x38: {  	s10 =	sld [smem:$0x3FB3]  }
0x39: {  	_ = 	snop;
	(pc) =	sbr.ind lr, $3  }
0x3a: {  	_ = 	snop  }
0x3b: {  	_ = 	snop  }
0x3c: {  	p2 =	seq.s32 s10, $0x1;
	s10 =	sld [smem:$0x3FB2]  }
0x3d: {  	_ =	shalt  }
0x3e: {  	_ =	shalt  }
0x3f: {  	_ =	shalt  }
0x40: {  	_ =	shalt  }
0x41: {  	_ =	shalt  }
0x42: {  	_ =	shalt  }
0x43: {  	_ =	shalt  }
0x44: {  	_ =	shalt  }
0x45: {  	_ =	shalt  }
0x46: {  	_ =	shalt  }
0x47: {  	_ =	shalt  }
0x48: {  	_ =	shalt  }
0x49: {  	_ =	shalt  }
0x4a: {  	_ =	shalt  }
0x4b: {  	_ =	shalt  }
0x4c: {  	_ =	shalt  }
0x4d: {  	_ =	shalt  }
0x4e: {  	_ =	shalt  }
0x4f: {  	_ =	shalt  }
0x50: {  	_ =	shalt  }
0x51: {  	_ =	shalt  }
0x52: {  	_ =	shalt  }
0x53: {  	_ =	shalt  }
0x54: {  	_ =	shalt  }
0x55: {  	_ =	shalt  }
0x56: {  	_ =	shalt  }
0x57: {  	_ =	shalt  }
0x58: {  	_ =	shalt  }
0x59: {  	_ =	shalt  }
0x5a: {  	_ =	shalt  }
0x5b: {  	_ =	shalt  }
0x5c: {  	_ =	shalt  }
0x5d: {  	_ =	shalt  }
0x5e: {  	_ =	shalt  }
0x5f: {  	_ =	shalt  }
0x60: {  	_ =	shalt  }
0x61: {  	_ =	shalt  }
0x62: {  	_ =	shalt  }
0x63: {  	_ =	shalt  }
0x64: {  	_ =	shalt  }
0x65: {  	_ =	shalt  }
0x66: {  	_ =	shalt  }
0x67: {  	_ =	shalt  }
0x68: {  	_ =	shalt  }
0x69: {  	_ =	shalt  }
0x6a: {  	_ =	shalt  }
0x6b: {  	_ =	shalt  }
0x6c: {  	_ =	shalt  }
0x6d: {  	_ =	shalt  }
0x6e: {  	_ =	shalt  }
0x6f: {  	_ =	shalt  }
0x70: {  	_ =	shalt  }
0x71: {  	_ =	shalt  }
0x72: {  	_ =	shalt  }
0x73: {  	_ =	shalt  }
0x74: {  	_ =	shalt  }
0x75: {  	_ =	shalt  }
0x76: {  	_ =	shalt  }
0x77: {  	_ =	shalt  }
0x78: {  	_ =	shalt  }
0x79: {  	_ =	shalt  }
0x7a: {  	_ =	shalt  }
0x7b: {  	_ =	shalt  }
0x7c: {  	_ =	shalt  }
0x7d: {  	_ =	shalt  }
0x7e: {  	_ =	shalt  }
0x7f: {  	_ =	shalt  }
0x80: {  	_ =	shalt  }
0x81: {  	_ =	shalt  }
0x82: {  	_ =	shalt  }
0x83: {  	_ =	shalt  }
0x84: {  	_ =	shalt  }
0x85: {  	_ =	shalt  }
0x86: {  	_ =	shalt  }
0x87: {  	_ =	shalt  }
.Lfunc_end0:
.L_simem_size_0:
called_computation.3_lowered:
.L_overlay_start_0:
0x88: {  	s2 =	sld [smem:$0x3FD9]  }
0x89: {  	s3 =	sld [smem:$0x3FFE];
	_ =	sdelay $0x1  }
0x8a: {  	s1 =	srdreg.scid  }
0x8b: {  	s0 =	sand.u32 $0x1, s1  }
0x8c: {  	s17 =	sshll.u32 s0, $0xA;
	s2 =	sadd.s32 s3, s2  }
0x8d: {  	s2 =	sadd.s32 s2, s17  }
0x8e: {  	[smem:$0x3FBE] =	sst s2  }
0x8f: {  	_ = 	snop  }
0x90: {  	s2 =	sld [smem:$0x3FD0];
	(tm) =	ssettm $0x1  }
0x91: {  	s18 =	sld [smem:$0x3FFB];
	_ =	sdelay $0x3  }
0x92: {  	_ =	strace s18  }
0x93: {  	s3 =	sld [smem:$0x3FFC];
	_ =	sdelay $0x3  }
0x94: {  	_ =	strace s3  }
0x95: {  	s3 =	sld [smem:$0x3FFD];
	_ =	sdelay $0x3  }
0x96: {  	_ =	strace s3  }
0x97: {  	_ =	strace $0x8FFFFFFF  }
0x98: {  	s19 =	sld [smem:$0x3FDB];
	_ =	sdelay $0x1  }
0x99: {  	s4 =	simm.s32 $_scs_section_size  }
0x9a: {  	s5 =	simm.s32 $_size__tile_overlayer_lowered;
	s6 =	simm.s32 $_tile_overlayer_lowered  }
0x9b: {  	s22 =	simm.s32 $0x1BFF;
	s21 =	sshll.u32 s6, $0x1;
	s3 =	sadd.s32 s4, s19  }
0x9c: {  	s7 =	simm.s32 $0x0;
	s20 =	sshll.u32 s5, $0x1;
	s5 =	sadd.s32 s21, s3  }
0x9d: {  	[timem:s7], [sflag:s22] =	dma.local [hbm:s5], s20  }
0x9e: {  	_ =	swait.ge [sflag:s22], s20  }
0x9f: {  	s4 =	ssub.s32 $0x0, s20;
	[sflag:s22] =	ssyncset.done $0x0  }
0xa0: {  	[sflag:s22] =	ssyncadd.s32 s4;
	_ =	sdelay $0x1  }
0xa1: {  	s23 =	simm.s32 $0x1B8B  }
0xa2: {  	_ =	swait.ge [sflag:s23], $0x1  }
0xa3: {  	[sflag:s23] =	ssyncset.done $0x0  }
0xa4: {  	s25 =	simm.s32 $0x1B8E;
	s24 =	sld [smem:$0x3FFE];
	[sflag:s23] =	ssyncadd.s32 $0xFFFFFFFF  }
0xa5: {  	s26 =	simm.s32 $execute0_lowered;
	[smem:$0x3FD2] =	sst s25  }
0xa6: {  	s5 =	sshll.u32 s26, $0x1;
	_ =	strace $0x8000004F;
	[dreg:$0x1] =	wrdreg $0xFFFFFFFF  }
0xa7: {  	s28 =	simm.s32 $_size_execute0_lowered;
	s3 =	sadd.s32 s3, s5;
	[dreg:$0x0] =	wrdreg $0x0  }
0xa8: {  	s5 =	sshll.u32 s28, $0x1;
	[dreg:$0x2] =	wrdreg s3  }
0xa9: {  	[dreg:$0x3] =	wrdreg s5  }
0xaa: {  	[dreg:$0x4] =	wrdreg $0xC0  }
0xab: {  	_ =	task [dreg:s7], $0x5FFFF  }
0xac: {  	[dreg:$0x1] =	wrdreg $0xFFFFFFFF  }
0xad: {  	[dreg:$0x0] =	wrdreg $0x60  }
0xae: {  	[dreg:$0x2] =	wrdreg s2  }
0xaf: {  	[dreg:$0x3] =	wrdreg s24  }
0xb0: {  	[dreg:$0x4] =	wrdreg $0x80100  }
0xb1: {  	[dreg:$0x5] =	wrdreg $0x9  }
0xb2: {  	_ =	task.clear_ibuf [dreg:s7], $0x6FFFF;
	_ =	strace $0x9000004F  }
0xb3: {  	s29 =	simm.s32 $0x9;
	_ =	strace $0x80000051  }
0xb4: {  	_ =	swait.ge [sflag:s29], $0x1  }
0xb5: {  	[sflag:s29] =	ssyncadd.s32 $0xFFFFFFFF  }
0xb6: {  	_ =	strace $0x90000051  }
0xb7: {  	_ =	sfence  }
0xb8: {  	s30 =	sld [smem:$0x0];
	_ =	sdelay $0x2  }
0xb9: {  	s31 =	sshll.u32 s1, $0xD;
	s1 =	sshrl.u32 s1, $0x2  }
0xba: {  	s3 =	sand.u32 $0x4000, s31;
	s1 =	sadd.s32 s1, s30  }
0xbb: {  	s0 =	sor.u32 s3, s0;
	s1 =	sshll.u32 s1, $0x11  }
0xbc: {  	s0 =	sor.u32 s1, s0  }
0xbd: {  	s0 =	sadd.s32 $0x8F2B, s0  }
0xbe: {  	[sflag:s0] =	ssyncadd.remote.s32 $0x1  }
0xbf: {  	_ =	sfence.sel $0xFFFF  }
0xc0: {  	[dreg:$0x0] =	wrdreg $0xFFFFFFFF;
	(pc) =	sbr.abs _section_cstart, $3  }
0xc1: {  	[dreg:$0x1] =	wrdreg $0xFFFFFFFF  }
0xc2: {  	_ =	task.clear_ibuf [dreg:s7], $0x2FFFF;
	_ =	strace $0x9FFFFFFF  }
0xc3: {  	(tm) =	ssettm $0x7FFFFFFF  }
tec
execute0_lowered:
.L_overlay_start_1:
0x0: {  	(tag) =	ssettag $0x1  }
0x1: {  	s1 =	rddreg [dreg:$0x0]  }
0x2: {  	s9 =	rddreg [dreg:$0x1]  }
0x3: {  	s2 =	rddreg [dreg:$0x2];
	s3 =	simm.s32 $0x0;
	s6 =	srdreg.scid  }
0x4: {  	s0 =	stileid.u32;
	s14 =	simm.s32 $0x80;
	s15 =	simm.s32 $0x100  }
0x5: {  	s16 =	simm.s32 $0x1100;
	s17 =	simm.s32 $0x1900;
	s18 =	simm.s32 $0x1  }
0x6: {  	s19 =	simm.s32 $0x2;
	s20 =	simm.s32 $0x3100;
	s21 =	simm.s32 $0x2100  }
0x7: {  	[smem:$0x7FF] =	sst s3;
	s4 =	sadd.s32 $0x20800, s9;
	s5 =	sadd.s32 $0x2A600, s9  }
0x8: {  	s7 =	sadd.s32 $0xC400, s9;
	s10 =	sand.u32 $0x1, s6;
	s13 =	smul.u32 $0x4F00, s0  }
0x9: {  	s8 =	sadd.s32 $0x16600, s9;
	s11 =	smul.u32 $0x9E00, s10;
	s12 =	ssub.s32 $0x2, s10  }
0xa: {  	_ =	strace $0x80000050;
	s10 =	sshll.u32 s10, $0x4;
	s31 =	sshrl.u32 s12, $0x1  }
0xb: {  	s10 =	sor.u32 s0, s10;
	s23 =	sshrl.u32 s13, $0x3;
	s11 =	sadd.s32 s11, s9  }
0xc: {  	v0 =	vlaneseq.u32;
	s12 =	ssub.s32 s12, s31;
	s9 =	sadd.s32 s13, s2;
	s10 =	smul.u32 $0x2880, s10  }
0xd: {  	v0 =	vshrl.u32 v0, $0x3;
	s13 =	simm.s32 $0x3;
	s22 =	sadd.s32 $0xCC600, s11;
	s11 =	smax.u32 s12, $0x1  }
0xe: {  	v1 =	vimm.f32 $0.0e+00;
	v2 =	vor.u32 $0x2, v0;
	s12 =	simm.s32 $0x3110;
	s22 =	sadd.s32 s23, s22;
	s23 =	simm.s32 $0x0  }
.LBB2_1:
0xf: {  	s24 =	simm.s32 $0x80;
	s25 =	simm.s32 $0x0  }
.LBB2_2:
0x10: {  	p0 =	sne.s32 s24, $0x13B80;
	[tilespmem:s25+$0x3110] =	vst v1;
	s26 =	smov.u32 s24;
	s24 =	sadd.s32 $0x80, s24  }
.Ltmp0:
0x11: {  	[tilespmem:s25+$0x3120] =	vst v1;
	(pc) =	sbr.rel @p0 .LBB2_2-.Ltmp0, $2  }
0x12: {  	_ =	sdelay $0x2  }
0x13: {  	s25 =	sshra.s32 s26, $0x2  }
0x14: {  	[tilespmem:s25+$0x3110] =	vst v1  }
0x15: {  	[tilespmem:s25+$0x3120] =	vst v1  }
0x16: {  	[spmem:s9] =	stream.linear.scatter [tilespmem:s12], [sflag:$0x3], $0x4F00, $0x38;
	[tilespmem:$0xCF10] =	vst v63  }
0x17: {  	_ =	swait.ge [sflag:s13], $0x4F00  }
0x18: {  	[sflag:s13] =	ssyncset.done $0x0  }
0x19: {  	[sflag:s13] =	ssyncadd.s32 $0xFFFFB100  }
0x1a: {  	s24 =	simm.s32 $0x0;
	s25 =	simm.s32 $0x0;
	[bflag:$0x0] =	sbarrier.arrive $0xFFFF  }
.LBB2_4:
0x1b: {  	s26 =	sshll.u32 s25, $0x7  }
0x1c: {  	s26 =	sadd.s32 s10, s26  }
0x1d: {  	s28 =	sshrl.u32 s26, $0x3  }
0x1e: {  	s29 =	sadd.s32 s7, s28  }
0x1f: {  	[tilespmem:s24], [sflag:$0x3] =	stream.linear.gather [hbm4b:s29+s24], $0x80, $0x38;
	[tilespmem:$0xCF10] =	vst v63  }
0x20: {  	_ =	swait.ge [sflag:s13], $0x80  }
0x21: {  	[sflag:s13] =	ssyncset.done $0x0  }
0x22: {  	s28 =	sadd.s32 s8, s28;
	[sflag:s13] =	ssyncadd.s32 $0xFFFFFF80  }
0x23: {  	[tilespmem:s14], [sflag:$0x3] =	stream.linear.gather [hbm4b:s28+s24], $0x80, $0x38;
	[tilespmem:$0xCF10] =	vst v63  }
0x24: {  	_ =	swait.ge [sflag:s13], $0x80  }
0x25: {  	[sflag:s13] =	ssyncset.done $0x0  }
0x26: {  	[sflag:s13] =	ssyncadd.s32 $0xFFFFFF80  }
0x27: {  	[tilespmem:s15], [sflag:$0x1] =	stream.indirect.gather [hbm4b:s1+s14], $0x20, s24, s14, $0xb8;
	[tilespmem:$0xCF10] =	vst v63  }
0x28: {  	s26 =	sshll.u32 s26, $0x1  }
0x29: {  	[tilespmem:s16], [sflag:$0x2] =	stream.indirect.gather [hbm4b:s4+s14], $0x10, s14, s14, $0xb8;
	[tilespmem:$0xCF10] =	vst v63  }
0x2a: {  	s26 =	sadd.s32 s5, s26  }
0x2b: {  	[tilespmem:s17], [sflag:$0x3] =	stream.linear.gather [hbm4b:s26+s24], $0x800, $0x38;
	[tilespmem:$0xCF10] =	vst v63  }
0x2c: {  	_ =	swait.ge [sflag:s13], $0x800  }
0x2d: {  	[sflag:s13] =	ssyncset.done $0x0  }
0x2e: {  	[sflag:s13] =	ssyncadd.s32 $0xFFFFF800  }
0x2f: {  	_ =	swait.ge [sflag:s18], $0x1000  }
0x30: {  	[sflag:s18] =	ssyncset.done $0x0  }
0x31: {  	[sflag:s18] =	ssyncadd.s32 $0xFFFFF000  }
0x32: {  	_ =	swait.ge [sflag:s19], $0x800  }
0x33: {  	[sflag:s19] =	ssyncset.done $0x0  }
0x34: {  	s6 =	simm.s32 $0x0;
	[sflag:s19] =	ssyncadd.s32 $0xFFFFF800  }
0x35: {  	v3 =	vld [tilespmem:s6+$0x1100];
	_ =	sdelay $0x4  }
0x36: {  	(erf) = vrcp.f32 v3;
	_ =	sdelay $0x4  }
0x37: {  	v3 =	vld [tilespmem:s6+$0x1900];
	_ =	sdelay $0x3  }
0x38: {  	v4 =	vpop (erf)  }
0x39: {  	v3 =	vmul.f32 v4, v3;
	_ =	sdelay $0x1  }
0x3a: {  	[tilespmem:$0x3100] =	vst v3  }
0x3b: {  	s26 =	simm.s32 $0x110;
	v3 =	vld.idx.msk [tilespmem:v0+s20+$0x0], $0xffff  }
0x3c: {  	v4 =	vld [tilespmem:s26+$0xFFFFFFF0];
	_ =	sdelay $0x4  }
0x3d: {  	v3 =	vmul.f32 v4, v3  }
0x3e: {  	s29 =	simm.s32 $0x2110  }
0x3f: {  	[tilespmem:s29+$0xFFFFFFF0] =	vst v3  }
0x40: {  	v3 =	vld.idx.msk [tilespmem:v2+s20+$0x0], $0xffff  }
0x41: {  	v4 =	vld [tilespmem:s26+$0x0];
	_ =	sdelay $0x4  }
0x42: {  	s30 =	simm.s32 $0x40;
	s31 =	simm.s32 $0x80;
	s28 =	simm.s32 $0x2130;
	v3 =	vmul.f32 v4, v3  }
.LBB2_5:
0x43: {  	s0 =	sshra.s32 s30, $0x2;
	s26 =	sadd.s32 $0x20, s26  }
0x44: {  	[tilespmem:s29+$0x0] =	vst v3;
	s30 =	smov.u32 s31;
	s6 =	sadd.s32 $0x40, s31;
	s29 =	smov.u32 s28  }
0x45: {  	p0 =	sne.s32 s31, $0x1FC0;
	v3 =	vld [tilespmem:s0+$0x1100];
	_ =	sdelay $0x4  }
0x46: {  	(erf) = vrcp.f32 v3;
	_ =	sdelay $0x4  }
0x47: {  	v3 =	vld [tilespmem:s0+$0x1900];
	_ =	sdelay $0x3  }
0x48: {  	v4 =	vpop (erf)  }
0x49: {  	v3 =	vmul.f32 v4, v3;
	_ =	sdelay $0x1  }
0x4a: {  	[tilespmem:$0x3100] =	vst v3  }
0x4b: {  	v3 =	vld.idx.msk [tilespmem:v0+s20+$0x0], $0xffff  }
0x4c: {  	v4 =	vld [tilespmem:s26+$0xFFFFFFF0];
	_ =	sdelay $0x4  }
0x4d: {  	v3 =	vmul.f32 v4, v3;
	_ =	sdelay $0x1  }
0x4e: {  	[tilespmem:s28+$0xFFFFFFF0] =	vst v3  }
0x4f: {  	v3 =	vld.idx.msk [tilespmem:v2+s20+$0x0], $0xffff  }
0x50: {  	v4 =	vld [tilespmem:s26+$0x0];
	_ =	sdelay $0x1  }
.Ltmp1:
0x51: {  	(pc) =	sbr.rel @p0 .LBB2_5-.Ltmp1, $3  }
0x52: {  	_ =	sdelay $0x1  }
0x53: {  	v3 =	vmul.f32 v4, v3  }
0x54: {  	s31 =	smov.u32 s6;
	s28 =	sadd.s32 $0x20, s28  }
0x55: {  	s0 =	sshra.s32 s30, $0x2;
	[tilespmem:s29+$0x0] =	vst v3  }
0x56: {  	v3 =	vld [tilespmem:s0+$0x1100];
	_ =	sdelay $0x4  }
0x57: {  	(erf) = vrcp.f32 v3;
	_ =	sdelay $0x4  }
0x58: {  	v3 =	vld [tilespmem:s0+$0x1900];
	_ =	sdelay $0x3  }
0x59: {  	v4 =	vpop (erf)  }
0x5a: {  	v3 =	vmul.f32 v4, v3;
	_ =	sdelay $0x1  }
0x5b: {  	[tilespmem:$0x3100] =	vst v3  }
0x5c: {  	s31 =	sadd.s32 $0x20, s26;
	v3 =	vld.idx.msk [tilespmem:v0+s20+$0x0], $0xffff  }
0x5d: {  	v62 =	vld [tilespmem:s31+$0xFFFFFFF0];
	_ =	sdelay $0x4  }
0x5e: {  	v3 =	vmul.f32 v62, v3;
	_ =	sdelay $0x1  }
0x5f: {  	[tilespmem:s28+$0xFFFFFFF0] =	vst v3  }
0x60: {  	v3 =	vld.idx.msk [tilespmem:v2+s20+$0x0], $0xffff  }
0x61: {  	v63 =	vld [tilespmem:s31+$0x0];
	_ =	sdelay $0x4  }
0x62: {  	s25 =	sadd.s32 $0x1, s25;
	v3 =	vmul.f32 v63, v3  }
0x63: {  	p0 =	sne.s32 s25, $0x51  }
.Ltmp2:
0x64: {  	[tilespmem:s28+$0x0] =	vst v3;
	(pc) =	sbr.rel @p0 .LBB2_4-.Ltmp2, $4  }
0x65: {  	[spmem:s2] =	stream.indirect.scatter.add.f32 [tilespmem:s21], [sflag:$0x3], $0x20, s14, s14, $0xb8;
	[tilespmem:$0xCF10] =	vst v63  }
0x66: {  	_ =	swait.ge [sflag:s13], $0x1000  }
0x67: {  	[sflag:s13] =	ssyncset.done $0x0  }
0x68: {  	[sflag:s13] =	ssyncadd.s32 $0xFFFFF000  }
0x69: {  	[bflag:$0x0] =	sbarrier.arrive $0xFFFF  }
0x6a: {  	[tilespmem:s12], [sflag:$0x3] =	stream.linear.gather [spmem:s9], $0x4F00, $0x38;
	[tilespmem:$0xCF10] =	vst v63  }
0x6b: {  	s23 =	sadd.s32 $0x1, s23;
	_ =	swait.ge [sflag:s13], $0x4F00  }
0x6c: {  	p0 =	sne.s32 s23, s11;
	[sflag:s13] =	ssyncset.done $0x0  }
.Ltmp3:
0x6d: {  	[sflag:s13] =	ssyncadd.s32 $0xFFFFB100;
	(pc) =	sbr.rel @p0 .LBB2_1-.Ltmp3, $4  }
0x6e: {  	[hbm4b:s22+s3] =	stream.linear.scatter [tilespmem:s12], [sflag:$0x3], $0x4F00, $0x38;
	[tilespmem:$0xCF10] =	vst v63  }
0x6f: {  	_ =	swait.ge [sflag:s13], $0x4F00  }
0x70: {  	[sflag:s13] =	ssyncset.done $0x0  }
0x71: {  	[sflag:s13] =	ssyncadd.s32 $0xFFFFB100  }
0x72: {  	_ =	sfence.sel $0x180000  }
0x73: {  	[bflag:$0x0] =	sbarrier.arrive $0xFFFF  }
0x74: {  	_ =	strace $0x90000050  }
0x75: {  	s0 =	stileid.u32;
	[bflag:$0x2] =	sbarrier.arrive $0xFFFF  }
0x76: {  	p0 =	sne.s32 s0, $0x0;
	s0 =	rddreg [dreg:$0x3]  }
0x77: {  	s0 =	sadd.s32 @!p0 $0x100000, s0  }
0x78: {  	[sflag:s0] =	ssyncadd.tile.s32 @!p0 $0x1;
	_ =	shalt  }
.Lfunc_end2:
_tile_overlayer_lowered:
.L_overlay_start_2:
0x79: {  	(tag) =	ssettag $0x2  }
0x7a: {  	s0 =	rddreg [dreg:$0x0];
	s2 =	stileid.u32  }
0x7b: {  	s1 =	rddreg [dreg:$0x1];
	p0 =	sne.s32 s2, $0x0  }
0x7c: {  	s3 =	rddreg [dreg:$0x2];
	[bflag:$0x3] =	sbarrier.arrive $0xFFFF;
	s2 =	simm.s32 @!p0 $0x1C03  }
0x7d: {  	[timem:s3], [sflag:s2] =	dma.local @!p0 [hbm:s0], s1  }
0x7e: {  	s0 =	simm.s32 @!p0 $0x3  }
0x7f: {  	_ =	swait.ge @!p0 [sflag:s0], s1  }
0x80: {  	s1 =	ssub.s32 @!p0 $0x0, s1;
	[sflag:s0] =	ssyncset.done @!p0 $0x0  }
0x81: {  	[sflag:s0] =	ssyncadd.s32 @!p0 s1  }
0x82: {  	[bflag:$0x3] =	sbarrier.arrive $0xFFFF  }
0x83: {  	_ =	shalt  }

</sc_bundles>
